<compile_context>
chip_gen: v7x
topology: tpu7x:2x2x1
jax: 0.10.2.dev20260603
libtpu: 0.0.44.dev20260713+nightly
codegen_flags: <defaults>
</compile_context>

<pallas_src>
import functools

import jax
import jax.numpy as jnp
from jax import lax
from jax.experimental import pallas as pl
from jax.experimental.pallas import tpu as pltpu
from jax.experimental.pallas import tpu_sc as plsc

N = 10000
E = 320000
D = 128

NC = 2
NS = 16
NW = NC * NS

CHUNK = 80
EPT = E // NW
NCHUNKS = EPT // CHUNK
ROWS_PER_TILE = 624
TAIL_ROW0 = NS * ROWS_PER_TILE
TAIL_ROWS = N - TAIL_ROW0


def _sc_agg_body(h_hbm, src_hbm, dst_hbm, zeros_hbm, out_hbm,
                 src_v, dst_v, r0, r1, r2, agg_s, m0, m1, m2):
    c = lax.axis_index("c")
    s = lax.axis_index("s")
    rows = (r0, r1, r2)
    sems = (m0, m1, m2)

    ebase = (c * NS + s) * EPT
    row0 = s * ROWS_PER_TILE
    idx_src = pltpu.async_copy(src_hbm.at[pl.ds(ebase, EPT)], src_v, m0)
    idx_dst = pltpu.async_copy(dst_hbm.at[pl.ds(ebase, EPT)], dst_v, m1)
    @pl.when(c == 0)
    def _():
        pltpu.async_copy(h_hbm.at[pl.ds(row0, ROWS_PER_TILE)],
                         agg_s.at[pl.ds(row0, ROWS_PER_TILE)], m2)

    @pl.when(c == 1)
    def _():
        pltpu.async_copy(zeros_hbm.at[pl.ds(row0, ROWS_PER_TILE)],
                         agg_s.at[pl.ds(row0, ROWS_PER_TILE)], m2)
    zinit = pltpu.make_async_copy(zeros_hbm.at[pl.ds(row0, ROWS_PER_TILE)],
                                  agg_s.at[pl.ds(row0, ROWS_PER_TILE)], m2)
    def sidx(k):
        return src_v.at[pl.ds(k * CHUNK, CHUNK)]

    def didx(k):
        return dst_v.at[pl.ds(k * CHUNK, CHUNK)]

    def issue_gather(k, b):
        pltpu.async_copy(h_hbm.at[sidx(k)], rows[b], sems[b])

    def wait_gather(k, b):
        pltpu.make_async_copy(h_hbm.at[sidx(k)], rows[b], sems[b]).wait()

    def issue_scatter(k, b):
        pltpu.async_copy(rows[b], agg_s.at[didx(k)], sems[b], add=True)

    def wait_scatter(k, b):
        pltpu.make_async_copy(rows[b], agg_s.at[didx(k)], sems[b]).wait()

    idx_src.wait()
    idx_dst.wait()
    issue_gather(0, 0)
    issue_gather(1, 1)
    zinit.wait()

    @pl.when((s == NS - 1) & (c == 0))
    def _():
        pltpu.sync_copy(h_hbm.at[pl.ds(TAIL_ROW0, TAIL_ROWS)],
                        agg_s.at[pl.ds(TAIL_ROW0, TAIL_ROWS)])

    @pl.when((s == NS - 1) & (c == 1))
    def _():
        pltpu.sync_copy(zeros_hbm.at[pl.ds(TAIL_ROW0, TAIL_ROWS)],
                        agg_s.at[pl.ds(TAIL_ROW0, TAIL_ROWS)])

    plsc.subcore_barrier()
    wait_gather(0, 0)
    issue_scatter(0, 0)
    issue_gather(2, 2)
    wait_scatter(0, 0)
    issue_gather(3, 0)
    wait_gather(1, 1)
    issue_scatter(1, 1)

    def body(i, carry):
        for j in range(3):
            k = 2 + 3 * i + j
            b = (2 + j) % 3
            wait_scatter(k - 1, (b + 2) % 3)
            issue_gather(k + 2, (b + 2) % 3)
            wait_gather(k, b)
            issue_scatter(k, b)
        return carry

    lax.fori_loop(0, (NCHUNKS - 5) // 3, body, 0)

    k = NCHUNKS - 3
    wait_scatter(k - 1, (k - 1) % 3)
    issue_gather(k + 2, (k + 2) % 3)
    wait_gather(k, k % 3)
    issue_scatter(k, k % 3)
    wait_gather(k + 1, (k + 1) % 3)
    issue_scatter(k + 1, (k + 1) % 3)
    wait_scatter(k, k % 3)
    wait_gather(k + 2, (k + 2) % 3)
    issue_scatter(k + 2, (k + 2) % 3)
    wait_scatter(k + 1, (k + 1) % 3)
    wait_scatter(k + 2, (k + 2) % 3)

    plsc.subcore_barrier()

    pltpu.sync_copy(agg_s.at[pl.ds(row0, ROWS_PER_TILE)],
                    out_hbm.at[c, pl.ds(row0, ROWS_PER_TILE)])

    @pl.when(s == NS - 1)
    def _():
        pltpu.sync_copy(agg_s.at[pl.ds(TAIL_ROW0, TAIL_ROWS)],
                        out_hbm.at[c, pl.ds(TAIL_ROW0, TAIL_ROWS)])


_sc_agg = functools.partial(
    pl.kernel,
    out_type=jax.ShapeDtypeStruct((NC, N, D), jnp.float32),
    mesh=plsc.VectorSubcoreMesh(core_axis_name="c", subcore_axis_name="s"),
    scratch_types=[
        pltpu.VMEM((EPT,), jnp.int32),
        pltpu.VMEM((EPT,), jnp.int32),
        pltpu.VMEM((CHUNK, D), jnp.float32),
        pltpu.VMEM((CHUNK, D), jnp.float32),
        pltpu.VMEM((CHUNK, D), jnp.float32),
        pltpu.VMEM_SHARED((N, D), jnp.float32),
        pltpu.SemaphoreType.DMA,
        pltpu.SemaphoreType.DMA,
        pltpu.SemaphoreType.DMA,
    ],
)(_sc_agg_body)


def _mlp_core(a_ref, W1_ref, b1_ref, bng_ref, bnb_ref, p1_ref,
              W2_ref, b2_ref, lng_ref, lnb_ref, p2_ref):
    z = a_ref[0] + a_ref[1]
    z = jnp.dot(z, W1_ref[...], preferred_element_type=jnp.float32) + b1_ref[...]
    mu = jnp.mean(z, axis=0, keepdims=True)
    var = jnp.mean((z - mu) ** 2, axis=0, keepdims=True)
    z = (z - mu) * lax.rsqrt(var + 1e-5) * bng_ref[...] + bnb_ref[...]
    z = jnp.where(z >= 0, z, p1_ref[0, 0] * z)
    z = jnp.dot(z, W2_ref[...], preferred_element_type=jnp.float32) + b2_ref[...]
    lmu = jnp.mean(z, axis=1, keepdims=True)
    lvar = jnp.mean((z - lmu) ** 2, axis=1, keepdims=True)
    z = (z - lmu) * lax.rsqrt(lvar + 1e-5) * lng_ref[...] + lnb_ref[...]
    return jnp.where(z >= 0, z, p2_ref[0, 0] * z)


def _mlp_body(a_ref, W1_ref, b1_ref, bng_ref, bnb_ref, p1_ref,
              W2_ref, b2_ref, lng_ref, lnb_ref, p2_ref, out_ref):
    out_ref[...] = _mlp_core(a_ref, W1_ref, b1_ref, bng_ref, bnb_ref,
                             p1_ref, W2_ref, b2_ref, lng_ref, lnb_ref, p2_ref)


def _mlp(agg, W1, b1, bng, bnb, p1, W2, b2, lng, lnb, p2):
    return pl.pallas_call(
        _mlp_body,
        out_shape=jax.ShapeDtypeStruct((N, D), jnp.float32),
    )(agg,
      W1, b1.reshape(1, D), bng.reshape(1, D), bnb.reshape(1, D),
      p1.reshape(1, 1),
      W2, b2.reshape(1, D), lng.reshape(1, D), lnb.reshape(1, D),
      p2.reshape(1, 1))


def kernel(x, edge_index, W1_0, b1_0, bng_0, bnb_0, p1_0, W2_0, b2_0, lng_0,
           lnb_0, p2_0, W1_1, b1_1, bng_1, bnb_1, p1_1, W2_1, b2_1, lng_1,
           lnb_1, p2_1):
    src = edge_index[0]
    dst = edge_index[1]
    zeros = jnp.zeros((N, D), jnp.float32)

    agg = _sc_agg(x, src, dst, zeros)
    h1 = _mlp(agg,
              W1_0, b1_0, bng_0, bnb_0, p1_0, W2_0, b2_0, lng_0, lnb_0, p2_0)
    agg = _sc_agg(h1, src, dst, zeros)
    h2 = _mlp(agg,
              W1_1, b1_1, bng_1, bnb_1, p1_1, W2_1, b2_1, lng_1, lnb_1, p2_1)
    return h2

# --- scband reference (transcript-rebuilt; emitter-appended) ---
"""Pipeline reference for scband-gin-31164282699923 (READ-ONLY COPY).

The authoritative reference and input builder live on the scoring server;
editing this copy changes nothing except your own understanding.
"""

import jax, jax.numpy as jnp
import numpy as np

N = 10000
E = 320000
D_IN = 128
HID = 128
OUT = 128

def _glorot(k, shape):
    fan = shape[0] + shape[1]
    return jax.random.normal(k, shape, dtype=jnp.float32) * jnp.sqrt(2.0 / fan)

def setup_inputs(seed: int = 0):
    key = jax.random.key(seed)
    ks = jax.random.split(key, 8)
    inp = {}
    inp["x"] = jax.random.normal(ks[0], (N, D_IN), dtype=jnp.float32)
    inp["edge_index"] = jax.random.randint(ks[1], (2, E), 0, N, dtype=jnp.int32)
    dims = [(D_IN, HID, HID), (HID, HID, OUT)]
    for i, (din, dh, dout) in enumerate(dims):
        k1, k2 = jax.random.split(jax.random.fold_in(key, i + 10))
        inp[f"W1_{i}"] = _glorot(k1, (din, dh))
        inp[f"b1_{i}"] = jnp.zeros((dh,), jnp.float32)
        inp[f"bng_{i}"] = jnp.ones((dh,), jnp.float32)
        inp[f"bnb_{i}"] = jnp.zeros((dh,), jnp.float32)
        inp[f"p1_{i}"] = jnp.full((1,), 0.25, jnp.float32)
        inp[f"W2_{i}"] = _glorot(k2, (dh, dout))
        inp[f"b2_{i}"] = jnp.zeros((dout,), jnp.float32)
        inp[f"lng_{i}"] = jnp.ones((dout,), jnp.float32)
        inp[f"lnb_{i}"] = jnp.zeros((dout,), jnp.float32)
        inp[f"p2_{i}"] = jnp.full((1,), 0.25, jnp.float32)
    return inp

def _prelu(h, a):
    return jnp.where(h >= 0, h, a * h)

def _gin_forward(x, edge_index, layers):
    src = edge_index[0]
    dst = edge_index[1]
    h = x
    for (W1, b1, bng, bnb, p1, W2, b2, lng, lnb, p2) in layers:
        # GINConv with eps=0.0: nn((1+eps)*x_i + sum_{j->i} x_j)
        agg = jnp.zeros_like(h).at[dst].add(h[src])
        z = h + agg
        z = z @ W1 + b1
        # BatchNorm (training-mode batch statistics, eps=1e-5)
        mu = jnp.mean(z, axis=0)
        var = jnp.var(z, axis=0)
        z = (z - mu) / jnp.sqrt(var + 1e-5) * bng + bnb
        z = _prelu(z, p1)
        z = z @ W2 + b2
        # LayerNorm after each conv
        lmu = jnp.mean(z, axis=-1, keepdims=True)
        lvar = jnp.var(z, axis=-1, keepdims=True)
        z = (z - lmu) / jnp.sqrt(lvar + 1e-5) * lng + lnb
        h = _prelu(z, p2)
    return h

def reference(x, edge_index, W1_0, b1_0, bng_0, bnb_0, p1_0, W2_0, b2_0, lng_0, lnb_0, p2_0, W1_1, b1_1, bng_1, bnb_1, p1_1, W2_1, b2_1, lng_1, lnb_1, p2_1):
    layers = [
        (W1_0, b1_0, bng_0, bnb_0, p1_0, W2_0, b2_0, lng_0, lnb_0, p2_0),
        (W1_1, b1_1, bng_1, bnb_1, p1_1, W2_1, b2_1, lng_1, lnb_1, p2_1),
    ]
    return _gin_forward(x, edge_index, layers)

if __name__ == "__main__":
    import jax
    _d = setup_inputs()
    print(jax.jit(kernel)(*tuple(_d.values())))

</pallas_src>

<mosaic_0001>
#map = affine_map<(d0, d1) -> (0, 0)>
#map1 = affine_map<(d0, d1) -> (0)>
#map2 = affine_map<(d0, d1) -> (0, 0, 0)>
module attributes {stable_mosaic.version = 14 : i64} {
  func.func @_sc_agg_body(%arg0: i32, %arg1: i32, %arg2: memref<10000x128xf32, #tpu.memory_space<hbm>>, %arg3: memref<320000xi32, #tpu.memory_space<hbm>>, %arg4: memref<320000xi32, #tpu.memory_space<hbm>>, %arg5: memref<10000x128xf32, #tpu.memory_space<hbm>>, %arg6: memref<2x10000x128xf32, #tpu.memory_space<hbm>>, %arg7: memref<10000xi32, #tpu.memory_space<vmem>>, %arg8: memref<10000xi32, #tpu.memory_space<vmem>>, %arg9: memref<80x128xf32, #tpu.memory_space<vmem>>, %arg10: memref<80x128xf32, #tpu.memory_space<vmem>>, %arg11: memref<80x128xf32, #tpu.memory_space<vmem>>, %arg12: memref<10000x128xf32, #tpu.memory_space<vmem_shared>>, %arg13: memref<!tpu.dma_semaphore, #tpu.memory_space<semaphore_mem>>, %arg14: memref<!tpu.dma_semaphore, #tpu.memory_space<semaphore_mem>>, %arg15: memref<!tpu.dma_semaphore, #tpu.memory_space<semaphore_mem>>) attributes {dimension_semantics = [#tpu.dimension_semantics<core_parallel>, #tpu.dimension_semantics<subcore_parallel>], iteration_bounds = array<i64: 2, 16>, scalar_prefetch = 0 : i64, scratch_operands = 9 : i64, tpu.core_type = #tpu.core_type<sc_vector_subcore>, window_params = [{transform_indices = #map}, {transform_indices = #map1}, {transform_indices = #map1}, {transform_indices = #map}, {transform_indices = #map2}]} {
    %mul3A = arith.constant 16 : i32
    %mul3A_0 = arith.muli %arg0, %mul3A : i32
    %add3A = arith.addi %mul3A_0, %arg1 : i32
    %mul3A_1 = arith.constant 10000 : i32
    %mul3A_2 = arith.muli %add3A, %mul3A_1 : i32
    %mul3A_3 = arith.constant 624 : i32
    %mul3A_4 = arith.muli %arg1, %mul3A_3 : i32
    %dma_start3A = tpu.memref_slice %arg3[%mul3A_2] : memref<320000xi32, #tpu.memory_space<hbm>> -> memref<10000xi32, #tpu.memory_space<hbm>>
    %dma_start3A_5 = tpu.memref_slice %arg3[%mul3A_2] : memref<320000xi32, #tpu.memory_space<hbm>> -> memref<10000xi32, #tpu.memory_space<hbm>>
    tpu.enqueue_dma source(%dma_start3A_5 : memref<10000xi32, #tpu.memory_space<hbm>>) target(%arg7 : memref<10000xi32, #tpu.memory_space<vmem>>) target_semaphore(%arg13 : memref<!tpu.dma_semaphore, #tpu.memory_space<semaphore_mem>>)
    %dma_start3A_6 = tpu.memref_slice %arg4[%mul3A_2] : memref<320000xi32, #tpu.memory_space<hbm>> -> memref<10000xi32, #tpu.memory_space<hbm>>
    %dma_start3A_7 = tpu.memref_slice %arg4[%mul3A_2] : memref<320000xi32, #tpu.memory_space<hbm>> -> memref<10000xi32, #tpu.memory_space<hbm>>
    tpu.enqueue_dma source(%dma_start3A_7 : memref<10000xi32, #tpu.memory_space<hbm>>) target(%arg8 : memref<10000xi32, #tpu.memory_space<vmem>>) target_semaphore(%arg14 : memref<!tpu.dma_semaphore, #tpu.memory_space<semaphore_mem>>)
    %eq3A = arith.constant 0 : i32
    %eq3A_8 = arith.cmpi eq, %arg0, %eq3A : i32
    %convert_element_type3A = arith.extui %eq3A_8 : i1 to i32
    %cond3A = arith.constant 0 : i32
    %cond3A_9 = arith.cmpi ne, %convert_element_type3A, %cond3A : i32
    scf.if %cond3A_9 {
      %dma_start3A_148 = arith.constant 0 : i32
      %dma_start3A_149 = tpu.memref_slice %arg12[%mul3A_4, %dma_start3A_148] : memref<10000x128xf32, #tpu.memory_space<vmem_shared>> -> memref<624x128xf32, #tpu.memory_space<vmem_shared>>
      %dma_start3A_150 = arith.constant 0 : i32
      %dma_start3A_151 = tpu.memref_slice %arg2[%mul3A_4, %dma_start3A_150] : memref<10000x128xf32, #tpu.memory_space<hbm>> -> memref<624x128xf32, #tpu.memory_space<hbm>>
      tpu.enqueue_dma source(%dma_start3A_151 : memref<624x128xf32, #tpu.memory_space<hbm>>) target(%dma_start3A_149 : memref<624x128xf32, #tpu.memory_space<vmem_shared>>) target_semaphore(%arg15 : memref<!tpu.dma_semaphore, #tpu.memory_space<semaphore_mem>>)
    } else {
    }
    %eq3A_10 = arith.constant 1 : i32
    %eq3A_11 = arith.cmpi eq, %arg0, %eq3A_10 : i32
    %convert_element_type3A_12 = arith.extui %eq3A_11 : i1 to i32
    %cond3A_13 = arith.constant 0 : i32
    %cond3A_14 = arith.cmpi ne, %convert_element_type3A_12, %cond3A_13 : i32
    scf.if %cond3A_14 {
      %dma_start3A_148 = arith.constant 0 : i32
      %dma_start3A_149 = tpu.memref_slice %arg12[%mul3A_4, %dma_start3A_148] : memref<10000x128xf32, #tpu.memory_space<vmem_shared>> -> memref<624x128xf32, #tpu.memory_space<vmem_shared>>
      %dma_start3A_150 = arith.constant 0 : i32
      %dma_start3A_151 = tpu.memref_slice %arg5[%mul3A_4, %dma_start3A_150] : memref<10000x128xf32, #tpu.memory_space<hbm>> -> memref<624x128xf32, #tpu.memory_space<hbm>>
      tpu.enqueue_dma source(%dma_start3A_151 : memref<624x128xf32, #tpu.memory_space<hbm>>) target(%dma_start3A_149 : memref<624x128xf32, #tpu.memory_space<vmem_shared>>) target_semaphore(%arg15 : memref<!tpu.dma_semaphore, #tpu.memory_space<semaphore_mem>>)
    } else {
    }
    %dma_wait3A = tpu.memref_slice %arg3[%mul3A_2] : memref<320000xi32, #tpu.memory_space<hbm>> -> memref<10000xi32, #tpu.memory_space<hbm>>
    %dma_wait3A_15 = tpu.memref_slice %arg3[%mul3A_2] : memref<320000xi32, #tpu.memory_space<hbm>> -> memref<10000xi32, #tpu.memory_space<hbm>>
    tpu.wait_dma2 semaphore(%arg13 : memref<!tpu.dma_semaphore, #tpu.memory_space<semaphore_mem>>) src(%dma_wait3A_15 : memref<10000xi32, #tpu.memory_space<hbm>>) dst(%arg7 : memref<10000xi32, #tpu.memory_space<vmem>>)
    %dma_wait3A_16 = tpu.memref_slice %arg4[%mul3A_2] : memref<320000xi32, #tpu.memory_space<hbm>> -> memref<10000xi32, #tpu.memory_space<hbm>>
    %dma_wait3A_17 = tpu.memref_slice %arg4[%mul3A_2] : memref<320000xi32, #tpu.memory_space<hbm>> -> memref<10000xi32, #tpu.memory_space<hbm>>
    tpu.wait_dma2 semaphore(%arg14 : memref<!tpu.dma_semaphore, #tpu.memory_space<semaphore_mem>>) src(%dma_wait3A_17 : memref<10000xi32, #tpu.memory_space<hbm>>) dst(%arg8 : memref<10000xi32, #tpu.memory_space<vmem>>)
    %dma_start3A_18 = arith.constant 0 : i32
    %dma_start3A_19 = tpu.memref_slice %arg7[%dma_start3A_18] : memref<10000xi32, #tpu.memory_space<vmem>> -> memref<80xi32, #tpu.memory_space<vmem>>
    %dma_start3A_20 = arith.constant 0 : i32
    %dma_start3A_21 = arith.constant 0 : i32
    %dma_start3A_22 = tpu.memref_slice %arg2[%dma_start3A_20, %dma_start3A_21] : memref<10000x128xf32, #tpu.memory_space<hbm>> -> memref<10000x128xf32, #tpu.memory_space<hbm>>
    tpu.enqueue_indirect_dma source(%dma_start3A_22 : memref<10000x128xf32, #tpu.memory_space<hbm>>) target(%arg9 : memref<80x128xf32, #tpu.memory_space<vmem>>) offsets(%dma_start3A_19 : memref<80xi32, #tpu.memory_space<vmem>>) semaphore(%arg13 : memref<!tpu.dma_semaphore, #tpu.memory_space<semaphore_mem>>)
    %dma_start3A_23 = arith.constant 80 : i32
    %dma_start3A_24 = tpu.memref_slice %arg7[%dma_start3A_23] : memref<10000xi32, #tpu.memory_space<vmem>> -> memref<80xi32, #tpu.memory_space<vmem>>
    %dma_start3A_25 = arith.constant 0 : i32
    %dma_start3A_26 = arith.constant 0 : i32
    %dma_start3A_27 = tpu.memref_slice %arg2[%dma_start3A_25, %dma_start3A_26] : memref<10000x128xf32, #tpu.memory_space<hbm>> -> memref<10000x128xf32, #tpu.memory_space<hbm>>
    tpu.enqueue_indirect_dma source(%dma_start3A_27 : memref<10000x128xf32, #tpu.memory_space<hbm>>) target(%arg10 : memref<80x128xf32, #tpu.memory_space<vmem>>) offsets(%dma_start3A_24 : memref<80xi32, #tpu.memory_space<vmem>>) semaphore(%arg14 : memref<!tpu.dma_semaphore, #tpu.memory_space<semaphore_mem>>)
    %dma_wait3A_28 = arith.constant 0 : i32
    %dma_wait3A_29 = tpu.memref_slice %arg12[%mul3A_4, %dma_wait3A_28] : memref<10000x128xf32, #tpu.memory_space<vmem_shared>> -> memref<624x128xf32, #tpu.memory_space<vmem_shared>>
    %dma_wait3A_30 = arith.constant 0 : i32
    %dma_wait3A_31 = tpu.memref_slice %arg5[%mul3A_4, %dma_wait3A_30] : memref<10000x128xf32, #tpu.memory_space<hbm>> -> memref<624x128xf32, #tpu.memory_space<hbm>>
    tpu.wait_dma2 semaphore(%arg15 : memref<!tpu.dma_semaphore, #tpu.memory_space<semaphore_mem>>) src(%dma_wait3A_31 : memref<624x128xf32, #tpu.memory_space<hbm>>) dst(%dma_wait3A_29 : memref<624x128xf32, #tpu.memory_space<vmem_shared>>)
    %eq3A_32 = arith.constant 15 : i32
    %eq3A_33 = arith.cmpi eq, %arg1, %eq3A_32 : i32
    %eq3A_34 = arith.constant 0 : i32
    %eq3A_35 = arith.cmpi eq, %arg0, %eq3A_34 : i32
    %and3A = arith.andi %eq3A_33, %eq3A_35 : i1
    %convert_element_type3A_36 = arith.extui %and3A : i1 to i32
    %cond3A_37 = arith.constant 0 : i32
    %cond3A_38 = arith.cmpi ne, %convert_element_type3A_36, %cond3A_37 : i32
    scf.if %cond3A_38 {
      "tpu.region"() ({
        %run_scoped3A = tpu.sem_alloc : memref<!tpu.dma_semaphore, #tpu.memory_space<semaphore_mem>>
        %dma_start3A_148 = arith.constant 9984 : i32
        %dma_start3A_149 = arith.constant 0 : i32
        %dma_start3A_150 = tpu.memref_slice %arg12[%dma_start3A_148, %dma_start3A_149] : memref<10000x128xf32, #tpu.memory_space<vmem_shared>> -> memref<16x128xf32, #tpu.memory_space<vmem_shared>>
        %dma_start3A_151 = arith.constant 9984 : i32
        %dma_start3A_152 = arith.constant 0 : i32
        %dma_start3A_153 = tpu.memref_slice %arg2[%dma_start3A_151, %dma_start3A_152] : memref<10000x128xf32, #tpu.memory_space<hbm>> -> memref<16x128xf32, #tpu.memory_space<hbm>>
        tpu.enqueue_dma source(%dma_start3A_153 : memref<16x128xf32, #tpu.memory_space<hbm>>) target(%dma_start3A_150 : memref<16x128xf32, #tpu.memory_space<vmem_shared>>) target_semaphore(%run_scoped3A : memref<!tpu.dma_semaphore, #tpu.memory_space<semaphore_mem>>)
        %dma_wait3A_154 = arith.constant 9984 : i32
        %dma_wait3A_155 = arith.constant 0 : i32
        %dma_wait3A_156 = tpu.memref_slice %arg12[%dma_wait3A_154, %dma_wait3A_155] : memref<10000x128xf32, #tpu.memory_space<vmem_shared>> -> memref<16x128xf32, #tpu.memory_space<vmem_shared>>
        %dma_wait3A_157 = arith.constant 9984 : i32
        %dma_wait3A_158 = arith.constant 0 : i32
        %dma_wait3A_159 = tpu.memref_slice %arg2[%dma_wait3A_157, %dma_wait3A_158] : memref<10000x128xf32, #tpu.memory_space<hbm>> -> memref<16x128xf32, #tpu.memory_space<hbm>>
        tpu.wait_dma2 semaphore(%run_scoped3A : memref<!tpu.dma_semaphore, #tpu.memory_space<semaphore_mem>>) src(%dma_wait3A_159 : memref<16x128xf32, #tpu.memory_space<hbm>>) dst(%dma_wait3A_156 : memref<16x128xf32, #tpu.memory_space<vmem_shared>>)
        tpu.yield
      }) : () -> ()
    } else {
    }
    %eq3A_39 = arith.constant 15 : i32
    %eq3A_40 = arith.cmpi eq, %arg1, %eq3A_39 : i32
    %eq3A_41 = arith.constant 1 : i32
    %eq3A_42 = arith.cmpi eq, %arg0, %eq3A_41 : i32
    %and3A_43 = arith.andi %eq3A_40, %eq3A_42 : i1
    %convert_element_type3A_44 = arith.extui %and3A_43 : i1 to i32
    %cond3A_45 = arith.constant 0 : i32
    %cond3A_46 = arith.cmpi ne, %convert_element_type3A_44, %cond3A_45 : i32
    scf.if %cond3A_46 {
      "tpu.region"() ({
        %run_scoped3A = tpu.sem_alloc : memref<!tpu.dma_semaphore, #tpu.memory_space<semaphore_mem>>
        %dma_start3A_148 = arith.constant 9984 : i32
        %dma_start3A_149 = arith.constant 0 : i32
        %dma_start3A_150 = tpu.memref_slice %arg12[%dma_start3A_148, %dma_start3A_149] : memref<10000x128xf32, #tpu.memory_space<vmem_shared>> -> memref<16x128xf32, #tpu.memory_space<vmem_shared>>
        %dma_start3A_151 = arith.constant 9984 : i32
        %dma_start3A_152 = arith.constant 0 : i32
        %dma_start3A_153 = tpu.memref_slice %arg5[%dma_start3A_151, %dma_start3A_152] : memref<10000x128xf32, #tpu.memory_space<hbm>> -> memref<16x128xf32, #tpu.memory_space<hbm>>
        tpu.enqueue_dma source(%dma_start3A_153 : memref<16x128xf32, #tpu.memory_space<hbm>>) target(%dma_start3A_150 : memref<16x128xf32, #tpu.memory_space<vmem_shared>>) target_semaphore(%run_scoped3A : memref<!tpu.dma_semaphore, #tpu.memory_space<semaphore_mem>>)
        %dma_wait3A_154 = arith.constant 9984 : i32
        %dma_wait3A_155 = arith.constant 0 : i32
        %dma_wait3A_156 = tpu.memref_slice %arg12[%dma_wait3A_154, %dma_wait3A_155] : memref<10000x128xf32, #tpu.memory_space<vmem_shared>> -> memref<16x128xf32, #tpu.memory_space<vmem_shared>>
        %dma_wait3A_157 = arith.constant 9984 : i32
        %dma_wait3A_158 = arith.constant 0 : i32
        %dma_wait3A_159 = tpu.memref_slice %arg5[%dma_wait3A_157, %dma_wait3A_158] : memref<10000x128xf32, #tpu.memory_space<hbm>> -> memref<16x128xf32, #tpu.memory_space<hbm>>
        tpu.wait_dma2 semaphore(%run_scoped3A : memref<!tpu.dma_semaphore, #tpu.memory_space<semaphore_mem>>) src(%dma_wait3A_159 : memref<16x128xf32, #tpu.memory_space<hbm>>) dst(%dma_wait3A_156 : memref<16x128xf32, #tpu.memory_space<vmem_shared>>)
        tpu.yield
      }) : () -> ()
    } else {
    }
    %barrier3A = arith.constant 0 : index
    tpu.barrier barrier_id(%barrier3A)
    %dma_wait3A_47 = arith.constant 0 : i32
    %dma_wait3A_48 = tpu.memref_slice %arg7[%dma_wait3A_47] : memref<10000xi32, #tpu.memory_space<vmem>> -> memref<80xi32, #tpu.memory_space<vmem>>
    %dma_wait3A_49 = arith.constant 0 : i32
    %dma_wait3A_50 = arith.constant 0 : i32
    %dma_wait3A_51 = tpu.memref_slice %arg2[%dma_wait3A_49, %dma_wait3A_50] : memref<10000x128xf32, #tpu.memory_space<hbm>> -> memref<10000x128xf32, #tpu.memory_space<hbm>>
    tpu.wait_indirect_dma semaphore(%arg13 : memref<!tpu.dma_semaphore, #tpu.memory_space<semaphore_mem>>) src(%dma_wait3A_51 : memref<10000x128xf32, #tpu.memory_space<hbm>>) dst(%arg9 : memref<80x128xf32, #tpu.memory_space<vmem>>)
    %dma_start3A_52 = arith.constant 0 : i32
    %dma_start3A_53 = tpu.memref_slice %arg8[%dma_start3A_52] : memref<10000xi32, #tpu.memory_space<vmem>> -> memref<80xi32, #tpu.memory_space<vmem>>
    %dma_start3A_54 = arith.constant 0 : i32
    %dma_start3A_55 = arith.constant 0 : i32
    %dma_start3A_56 = tpu.memref_slice %arg12[%dma_start3A_54, %dma_start3A_55] : memref<10000x128xf32, #tpu.memory_space<vmem_shared>> -> memref<10000x128xf32, #tpu.memory_space<vmem_shared>>
    tpu.enqueue_indirect_dma source(%arg9 : memref<80x128xf32, #tpu.memory_space<vmem>>) target(%dma_start3A_56 : memref<10000x128xf32, #tpu.memory_space<vmem_shared>>) offsets(%dma_start3A_53 : memref<80xi32, #tpu.memory_space<vmem>>) semaphore(%arg13 : memref<!tpu.dma_semaphore, #tpu.memory_space<semaphore_mem>>) {add = true}
    %dma_start3A_57 = arith.constant 160 : i32
    %dma_start3A_58 = tpu.memref_slice %arg7[%dma_start3A_57] : memref<10000xi32, #tpu.memory_space<vmem>> -> memref<80xi32, #tpu.memory_space<vmem>>
    %dma_start3A_59 = arith.constant 0 : i32
    %dma_start3A_60 = arith.constant 0 : i32
    %dma_start3A_61 = tpu.memref_slice %arg2[%dma_start3A_59, %dma_start3A_60] : memref<10000x128xf32, #tpu.memory_space<hbm>> -> memref<10000x128xf32, #tpu.memory_space<hbm>>
    tpu.enqueue_indirect_dma source(%dma_start3A_61 : memref<10000x128xf32, #tpu.memory_space<hbm>>) target(%arg11 : memref<80x128xf32, #tpu.memory_space<vmem>>) offsets(%dma_start3A_58 : memref<80xi32, #tpu.memory_space<vmem>>) semaphore(%arg15 : memref<!tpu.dma_semaphore, #tpu.memory_space<semaphore_mem>>)
    %dma_wait3A_62 = arith.constant 0 : i32
    %dma_wait3A_63 = tpu.memref_slice %arg8[%dma_wait3A_62] : memref<10000xi32, #tpu.memory_space<vmem>> -> memref<80xi32, #tpu.memory_space<vmem>>
    %dma_wait3A_64 = arith.constant 0 : i32
    %dma_wait3A_65 = arith.constant 0 : i32
    %dma_wait3A_66 = tpu.memref_slice %arg12[%dma_wait3A_64, %dma_wait3A_65] : memref<10000x128xf32, #tpu.memory_space<vmem_shared>> -> memref<10000x128xf32, #tpu.memory_space<vmem_shared>>
    tpu.wait_indirect_dma semaphore(%arg13 : memref<!tpu.dma_semaphore, #tpu.memory_space<semaphore_mem>>) src(%arg9 : memref<80x128xf32, #tpu.memory_space<vmem>>) dst(%dma_wait3A_66 : memref<10000x128xf32, #tpu.memory_space<vmem_shared>>)
    %dma_start3A_67 = arith.constant 240 : i32
    %dma_start3A_68 = tpu.memref_slice %arg7[%dma_start3A_67] : memref<10000xi32, #tpu.memory_space<vmem>> -> memref<80xi32, #tpu.memory_space<vmem>>
    %dma_start3A_69 = arith.constant 0 : i32
    %dma_start3A_70 = arith.constant 0 : i32
    %dma_start3A_71 = tpu.memref_slice %arg2[%dma_start3A_69, %dma_start3A_70] : memref<10000x128xf32, #tpu.memory_space<hbm>> -> memref<10000x128xf32, #tpu.memory_space<hbm>>
    tpu.enqueue_indirect_dma source(%dma_start3A_71 : memref<10000x128xf32, #tpu.memory_space<hbm>>) target(%arg9 : memref<80x128xf32, #tpu.memory_space<vmem>>) offsets(%dma_start3A_68 : memref<80xi32, #tpu.memory_space<vmem>>) semaphore(%arg13 : memref<!tpu.dma_semaphore, #tpu.memory_space<semaphore_mem>>)
    %dma_wait3A_72 = arith.constant 80 : i32
    %dma_wait3A_73 = tpu.memref_slice %arg7[%dma_wait3A_72] : memref<10000xi32, #tpu.memory_space<vmem>> -> memref<80xi32, #tpu.memory_space<vmem>>
    %dma_wait3A_74 = arith.constant 0 : i32
    %dma_wait3A_75 = arith.constant 0 : i32
    %dma_wait3A_76 = tpu.memref_slice %arg2[%dma_wait3A_74, %dma_wait3A_75] : memref<10000x128xf32, #tpu.memory_space<hbm>> -> memref<10000x128xf32, #tpu.memory_space<hbm>>
    tpu.wait_indirect_dma semaphore(%arg14 : memref<!tpu.dma_semaphore, #tpu.memory_space<semaphore_mem>>) src(%dma_wait3A_76 : memref<10000x128xf32, #tpu.memory_space<hbm>>) dst(%arg10 : memref<80x128xf32, #tpu.memory_space<vmem>>)
    %dma_start3A_77 = arith.constant 80 : i32
    %dma_start3A_78 = tpu.memref_slice %arg8[%dma_start3A_77] : memref<10000xi32, #tpu.memory_space<vmem>> -> memref<80xi32, #tpu.memory_space<vmem>>
    %dma_start3A_79 = arith.constant 0 : i32
    %dma_start3A_80 = arith.constant 0 : i32
    %dma_start3A_81 = tpu.memref_slice %arg12[%dma_start3A_79, %dma_start3A_80] : memref<10000x128xf32, #tpu.memory_space<vmem_shared>> -> memref<10000x128xf32, #tpu.memory_space<vmem_shared>>
    tpu.enqueue_indirect_dma source(%arg10 : memref<80x128xf32, #tpu.memory_space<vmem>>) target(%dma_start3A_81 : memref<10000x128xf32, #tpu.memory_space<vmem_shared>>) offsets(%dma_start3A_78 : memref<80xi32, #tpu.memory_space<vmem>>) semaphore(%arg14 : memref<!tpu.dma_semaphore, #tpu.memory_space<semaphore_mem>>) {add = true}
    %scan3A = arith.constant 0 : i32
    %scan3A_82 = arith.constant 0 : i32
    %scan3A_83 = arith.constant 40 : i32
    %scan3A_84 = arith.addi %scan3A_82, %scan3A_83 : i32
    %scan3A_85 = arith.constant 1 : i32
    scf.for %scan3A_148 = %scan3A_82 to %scan3A_84 step %scan3A_85  : i32 {
      %mul3A_149 = arith.constant 3 : i32
      %mul3A_150 = arith.muli %mul3A_149, %scan3A_148 : i32
      %add3A_151 = arith.constant 2 : i32
      %add3A_152 = arith.addi %add3A_151, %mul3A_150 : i32
      %add3A_153 = arith.constant 0 : i32
      %add3A_154 = arith.addi %add3A_152, %add3A_153 : i32
      %sub3A = arith.constant 1 : i32
      %sub3A_155 = arith.subi %add3A_154, %sub3A : i32
      %mul3A_156 = arith.constant 80 : i32
      %mul3A_157 = arith.muli %sub3A_155, %mul3A_156 : i32
      %dma_wait3A_158 = tpu.memref_slice %arg8[%mul3A_157] : memref<10000xi32, #tpu.memory_space<vmem>> -> memref<80xi32, #tpu.memory_space<vmem>>
      %dma_wait3A_159 = arith.constant 0 : i32
      %dma_wait3A_160 = arith.constant 0 : i32
      %dma_wait3A_161 = tpu.memref_slice %arg12[%dma_wait3A_159, %dma_wait3A_160] : memref<10000x128xf32, #tpu.memory_space<vmem_shared>> -> memref<10000x128xf32, #tpu.memory_space<vmem_shared>>
      tpu.wait_indirect_dma semaphore(%arg14 : memref<!tpu.dma_semaphore, #tpu.memory_space<semaphore_mem>>) src(%arg10 : memref<80x128xf32, #tpu.memory_space<vmem>>) dst(%dma_wait3A_161 : memref<10000x128xf32, #tpu.memory_space<vmem_shared>>)
      %add3A_162 = arith.constant 2 : i32
      %add3A_163 = arith.addi %add3A_154, %add3A_162 : i32
      %mul3A_164 = arith.constant 80 : i32
      %mul3A_165 = arith.muli %add3A_163, %mul3A_164 : i32
      %dma_start3A_166 = tpu.memref_slice %arg7[%mul3A_165] : memref<10000xi32, #tpu.memory_space<vmem>> -> memref<80xi32, #tpu.memory_space<vmem>>
      %dma_start3A_167 = arith.constant 0 : i32
      %dma_start3A_168 = arith.constant 0 : i32
      %dma_start3A_169 = tpu.memref_slice %arg2[%dma_start3A_167, %dma_start3A_168] : memref<10000x128xf32, #tpu.memory_space<hbm>> -> memref<10000x128xf32, #tpu.memory_space<hbm>>
      tpu.enqueue_indirect_dma source(%dma_start3A_169 : memref<10000x128xf32, #tpu.memory_space<hbm>>) target(%arg10 : memref<80x128xf32, #tpu.memory_space<vmem>>) offsets(%dma_start3A_166 : memref<80xi32, #tpu.memory_space<vmem>>) semaphore(%arg14 : memref<!tpu.dma_semaphore, #tpu.memory_space<semaphore_mem>>)
      %mul3A_170 = arith.constant 80 : i32
      %mul3A_171 = arith.muli %add3A_154, %mul3A_170 : i32
      %dma_wait3A_172 = tpu.memref_slice %arg7[%mul3A_171] : memref<10000xi32, #tpu.memory_space<vmem>> -> memref<80xi32, #tpu.memory_space<vmem>>
      %dma_wait3A_173 = arith.constant 0 : i32
      %dma_wait3A_174 = arith.constant 0 : i32
      %dma_wait3A_175 = tpu.memref_slice %arg2[%dma_wait3A_173, %dma_wait3A_174] : memref<10000x128xf32, #tpu.memory_space<hbm>> -> memref<10000x128xf32, #tpu.memory_space<hbm>>
      tpu.wait_indirect_dma semaphore(%arg15 : memref<!tpu.dma_semaphore, #tpu.memory_space<semaphore_mem>>) src(%dma_wait3A_175 : memref<10000x128xf32, #tpu.memory_space<hbm>>) dst(%arg11 : memref<80x128xf32, #tpu.memory_space<vmem>>)
      %mul3A_176 = arith.constant 80 : i32
      %mul3A_177 = arith.muli %add3A_154, %mul3A_176 : i32
      %dma_start3A_178 = tpu.memref_slice %arg8[%mul3A_177] : memref<10000xi32, #tpu.memory_space<vmem>> -> memref<80xi32, #tpu.memory_space<vmem>>
      %dma_start3A_179 = arith.constant 0 : i32
      %dma_start3A_180 = arith.constant 0 : i32
      %dma_start3A_181 = tpu.memref_slice %arg12[%dma_start3A_179, %dma_start3A_180] : memref<10000x128xf32, #tpu.memory_space<vmem_shared>> -> memref<10000x128xf32, #tpu.memory_space<vmem_shared>>
      tpu.enqueue_indirect_dma source(%arg11 : memref<80x128xf32, #tpu.memory_space<vmem>>) target(%dma_start3A_181 : memref<10000x128xf32, #tpu.memory_space<vmem_shared>>) offsets(%dma_start3A_178 : memref<80xi32, #tpu.memory_space<vmem>>) semaphore(%arg15 : memref<!tpu.dma_semaphore, #tpu.memory_space<semaphore_mem>>) {add = true}
      %mul3A_182 = arith.constant 3 : i32
      %mul3A_183 = arith.muli %mul3A_182, %scan3A_148 : i32
      %add3A_184 = arith.constant 2 : i32
      %add3A_185 = arith.addi %add3A_184, %mul3A_183 : i32
      %add3A_186 = arith.constant 1 : i32
      %add3A_187 = arith.addi %add3A_185, %add3A_186 : i32
      %sub3A_188 = arith.constant 1 : i32
      %sub3A_189 = arith.subi %add3A_187, %sub3A_188 : i32
      %mul3A_190 = arith.constant 80 : i32
      %mul3A_191 = arith.muli %sub3A_189, %mul3A_190 : i32
      %dma_wait3A_192 = tpu.memref_slice %arg8[%mul3A_191] : memref<10000xi32, #tpu.memory_space<vmem>> -> memref<80xi32, #tpu.memory_space<vmem>>
      %dma_wait3A_193 = arith.constant 0 : i32
      %dma_wait3A_194 = arith.constant 0 : i32
      %dma_wait3A_195 = tpu.memref_slice %arg12[%dma_wait3A_193, %dma_wait3A_194] : memref<10000x128xf32, #tpu.memory_space<vmem_shared>> -> memref<10000x128xf32, #tpu.memory_space<vmem_shared>>
      tpu.wait_indirect_dma semaphore(%arg15 : memref<!tpu.dma_semaphore, #tpu.memory_space<semaphore_mem>>) src(%arg11 : memref<80x128xf32, #tpu.memory_space<vmem>>) dst(%dma_wait3A_195 : memref<10000x128xf32, #tpu.memory_space<vmem_shared>>)
      %add3A_196 = arith.constant 2 : i32
      %add3A_197 = arith.addi %add3A_187, %add3A_196 : i32
      %mul3A_198 = arith.constant 80 : i32
      %mul3A_199 = arith.muli %add3A_197, %mul3A_198 : i32
      %dma_start3A_200 = tpu.memref_slice %arg7[%mul3A_199] : memref<10000xi32, #tpu.memory_space<vmem>> -> memref<80xi32, #tpu.memory_space<vmem>>
      %dma_start3A_201 = arith.constant 0 : i32
      %dma_start3A_202 = arith.constant 0 : i32
      %dma_start3A_203 = tpu.memref_slice %arg2[%dma_start3A_201, %dma_start3A_202] : memref<10000x128xf32, #tpu.memory_space<hbm>> -> memref<10000x128xf32, #tpu.memory_space<hbm>>
      tpu.enqueue_indirect_dma source(%dma_start3A_203 : memref<10000x128xf32, #tpu.memory_space<hbm>>) target(%arg11 : memref<80x128xf32, #tpu.memory_space<vmem>>) offsets(%dma_start3A_200 : memref<80xi32, #tpu.memory_space<vmem>>) semaphore(%arg15 : memref<!tpu.dma_semaphore, #tpu.memory_space<semaphore_mem>>)
      %mul3A_204 = arith.constant 80 : i32
      %mul3A_205 = arith.muli %add3A_187, %mul3A_204 : i32
      %dma_wait3A_206 = tpu.memref_slice %arg7[%mul3A_205] : memref<10000xi32, #tpu.memory_space<vmem>> -> memref<80xi32, #tpu.memory_space<vmem>>
      %dma_wait3A_207 = arith.constant 0 : i32
      %dma_wait3A_208 = arith.constant 0 : i32
      %dma_wait3A_209 = tpu.memref_slice %arg2[%dma_wait3A_207, %dma_wait3A_208] : memref<10000x128xf32, #tpu.memory_space<hbm>> -> memref<10000x128xf32, #tpu.memory_space<hbm>>
      tpu.wait_indirect_dma semaphore(%arg13 : memref<!tpu.dma_semaphore, #tpu.memory_space<semaphore_mem>>) src(%dma_wait3A_209 : memref<10000x128xf32, #tpu.memory_space<hbm>>) dst(%arg9 : memref<80x128xf32, #tpu.memory_space<vmem>>)
      %mul3A_210 = arith.constant 80 : i32
      %mul3A_211 = arith.muli %add3A_187, %mul3A_210 : i32
      %dma_start3A_212 = tpu.memref_slice %arg8[%mul3A_211] : memref<10000xi32, #tpu.memory_space<vmem>> -> memref<80xi32, #tpu.memory_space<vmem>>
      %dma_start3A_213 = arith.constant 0 : i32
      %dma_start3A_214 = arith.constant 0 : i32
      %dma_start3A_215 = tpu.memref_slice %arg12[%dma_start3A_213, %dma_start3A_214] : memref<10000x128xf32, #tpu.memory_space<vmem_shared>> -> memref<10000x128xf32, #tpu.memory_space<vmem_shared>>
      tpu.enqueue_indirect_dma source(%arg9 : memref<80x128xf32, #tpu.memory_space<vmem>>) target(%dma_start3A_215 : memref<10000x128xf32, #tpu.memory_space<vmem_shared>>) offsets(%dma_start3A_212 : memref<80xi32, #tpu.memory_space<vmem>>) semaphore(%arg13 : memref<!tpu.dma_semaphore, #tpu.memory_space<semaphore_mem>>) {add = true}
      %mul3A_216 = arith.constant 3 : i32
      %mul3A_217 = arith.muli %mul3A_216, %scan3A_148 : i32
      %add3A_218 = arith.constant 2 : i32
      %add3A_219 = arith.addi %add3A_218, %mul3A_217 : i32
      %add3A_220 = arith.constant 2 : i32
      %add3A_221 = arith.addi %add3A_219, %add3A_220 : i32
      %sub3A_222 = arith.constant 1 : i32
      %sub3A_223 = arith.subi %add3A_221, %sub3A_222 : i32
      %mul3A_224 = arith.constant 80 : i32
      %mul3A_225 = arith.muli %sub3A_223, %mul3A_224 : i32
      %dma_wait3A_226 = tpu.memref_slice %arg8[%mul3A_225] : memref<10000xi32, #tpu.memory_space<vmem>> -> memref<80xi32, #tpu.memory_space<vmem>>
      %dma_wait3A_227 = arith.constant 0 : i32
      %dma_wait3A_228 = arith.constant 0 : i32
      %dma_wait3A_229 = tpu.memref_slice %arg12[%dma_wait3A_227, %dma_wait3A_228] : memref<10000x128xf32, #tpu.memory_space<vmem_shared>> -> memref<10000x128xf32, #tpu.memory_space<vmem_shared>>
      tpu.wait_indirect_dma semaphore(%arg13 : memref<!tpu.dma_semaphore, #tpu.memory_space<semaphore_mem>>) src(%arg9 : memref<80x128xf32, #tpu.memory_space<vmem>>) dst(%dma_wait3A_229 : memref<10000x128xf32, #tpu.memory_space<vmem_shared>>)
      %add3A_230 = arith.constant 2 : i32
      %add3A_231 = arith.addi %add3A_221, %add3A_230 : i32
      %mul3A_232 = arith.constant 80 : i32
      %mul3A_233 = arith.muli %add3A_231, %mul3A_232 : i32
      %dma_start3A_234 = tpu.memref_slice %arg7[%mul3A_233] : memref<10000xi32, #tpu.memory_space<vmem>> -> memref<80xi32, #tpu.memory_space<vmem>>
      %dma_start3A_235 = arith.constant 0 : i32
      %dma_start3A_236 = arith.constant 0 : i32
      %dma_start3A_237 = tpu.memref_slice %arg2[%dma_start3A_235, %dma_start3A_236] : memref<10000x128xf32, #tpu.memory_space<hbm>> -> memref<10000x128xf32, #tpu.memory_space<hbm>>
      tpu.enqueue_indirect_dma source(%dma_start3A_237 : memref<10000x128xf32, #tpu.memory_space<hbm>>) target(%arg9 : memref<80x128xf32, #tpu.memory_space<vmem>>) offsets(%dma_start3A_234 : memref<80xi32, #tpu.memory_space<vmem>>) semaphore(%arg13 : memref<!tpu.dma_semaphore, #tpu.memory_space<semaphore_mem>>)
      %mul3A_238 = arith.constant 80 : i32
      %mul3A_239 = arith.muli %add3A_221, %mul3A_238 : i32
      %dma_wait3A_240 = tpu.memref_slice %arg7[%mul3A_239] : memref<10000xi32, #tpu.memory_space<vmem>> -> memref<80xi32, #tpu.memory_space<vmem>>
      %dma_wait3A_241 = arith.constant 0 : i32
      %dma_wait3A_242 = arith.constant 0 : i32
      %dma_wait3A_243 = tpu.memref_slice %arg2[%dma_wait3A_241, %dma_wait3A_242] : memref<10000x128xf32, #tpu.memory_space<hbm>> -> memref<10000x128xf32, #tpu.memory_space<hbm>>
      tpu.wait_indirect_dma semaphore(%arg14 : memref<!tpu.dma_semaphore, #tpu.memory_space<semaphore_mem>>) src(%dma_wait3A_243 : memref<10000x128xf32, #tpu.memory_space<hbm>>) dst(%arg10 : memref<80x128xf32, #tpu.memory_space<vmem>>)
      %mul3A_244 = arith.constant 80 : i32
      %mul3A_245 = arith.muli %add3A_221, %mul3A_244 : i32
      %dma_start3A_246 = tpu.memref_slice %arg8[%mul3A_245] : memref<10000xi32, #tpu.memory_space<vmem>> -> memref<80xi32, #tpu.memory_space<vmem>>
      %dma_start3A_247 = arith.constant 0 : i32
      %dma_start3A_248 = arith.constant 0 : i32
      %dma_start3A_249 = tpu.memref_slice %arg12[%dma_start3A_247, %dma_start3A_248] : memref<10000x128xf32, #tpu.memory_space<vmem_shared>> -> memref<10000x128xf32, #tpu.memory_space<vmem_shared>>
      tpu.enqueue_indirect_dma source(%arg10 : memref<80x128xf32, #tpu.memory_space<vmem>>) target(%dma_start3A_249 : memref<10000x128xf32, #tpu.memory_space<vmem_shared>>) offsets(%dma_start3A_246 : memref<80xi32, #tpu.memory_space<vmem>>) semaphore(%arg14 : memref<!tpu.dma_semaphore, #tpu.memory_space<semaphore_mem>>) {add = true}
    }
    %scan3A_86 = arith.constant 40 : i32
    %dma_wait3A_87 = arith.constant 9680 : i32
    %dma_wait3A_88 = tpu.memref_slice %arg8[%dma_wait3A_87] : memref<10000xi32, #tpu.memory_space<vmem>> -> memref<80xi32, #tpu.memory_space<vmem>>
    %dma_wait3A_89 = arith.constant 0 : i32
    %dma_wait3A_90 = arith.constant 0 : i32
    %dma_wait3A_91 = tpu.memref_slice %arg12[%dma_wait3A_89, %dma_wait3A_90] : memref<10000x128xf32, #tpu.memory_space<vmem_shared>> -> memref<10000x128xf32, #tpu.memory_space<vmem_shared>>
    tpu.wait_indirect_dma semaphore(%arg14 : memref<!tpu.dma_semaphore, #tpu.memory_space<semaphore_mem>>) src(%arg10 : memref<80x128xf32, #tpu.memory_space<vmem>>) dst(%dma_wait3A_91 : memref<10000x128xf32, #tpu.memory_space<vmem_shared>>)
    %dma_start3A_92 = arith.constant 9920 : i32
    %dma_start3A_93 = tpu.memref_slice %arg7[%dma_start3A_92] : memref<10000xi32, #tpu.memory_space<vmem>> -> memref<80xi32, #tpu.memory_space<vmem>>
    %dma_start3A_94 = arith.constant 0 : i32
    %dma_start3A_95 = arith.constant 0 : i32
    %dma_start3A_96 = tpu.memref_slice %arg2[%dma_start3A_94, %dma_start3A_95] : memref<10000x128xf32, #tpu.memory_space<hbm>> -> memref<10000x128xf32, #tpu.memory_space<hbm>>
    tpu.enqueue_indirect_dma source(%dma_start3A_96 : memref<10000x128xf32, #tpu.memory_space<hbm>>) target(%arg10 : memref<80x128xf32, #tpu.memory_space<vmem>>) offsets(%dma_start3A_93 : memref<80xi32, #tpu.memory_space<vmem>>) semaphore(%arg14 : memref<!tpu.dma_semaphore, #tpu.memory_space<semaphore_mem>>)
    %dma_wait3A_97 = arith.constant 9760 : i32
    %dma_wait3A_98 = tpu.memref_slice %arg7[%dma_wait3A_97] : memref<10000xi32, #tpu.memory_space<vmem>> -> memref<80xi32, #tpu.memory_space<vmem>>
    %dma_wait3A_99 = arith.constant 0 : i32
    %dma_wait3A_100 = arith.constant 0 : i32
    %dma_wait3A_101 = tpu.memref_slice %arg2[%dma_wait3A_99, %dma_wait3A_100] : memref<10000x128xf32, #tpu.memory_space<hbm>> -> memref<10000x128xf32, #tpu.memory_space<hbm>>
    tpu.wait_indirect_dma semaphore(%arg15 : memref<!tpu.dma_semaphore, #tpu.memory_space<semaphore_mem>>) src(%dma_wait3A_101 : memref<10000x128xf32, #tpu.memory_space<hbm>>) dst(%arg11 : memref<80x128xf32, #tpu.memory_space<vmem>>)
    %dma_start3A_102 = arith.constant 9760 : i32
    %dma_start3A_103 = tpu.memref_slice %arg8[%dma_start3A_102] : memref<10000xi32, #tpu.memory_space<vmem>> -> memref<80xi32, #tpu.memory_space<vmem>>
    %dma_start3A_104 = arith.constant 0 : i32
    %dma_start3A_105 = arith.constant 0 : i32
    %dma_start3A_106 = tpu.memref_slice %arg12[%dma_start3A_104, %dma_start3A_105] : memref<10000x128xf32, #tpu.memory_space<vmem_shared>> -> memref<10000x128xf32, #tpu.memory_space<vmem_shared>>
    tpu.enqueue_indirect_dma source(%arg11 : memref<80x128xf32, #tpu.memory_space<vmem>>) target(%dma_start3A_106 : memref<10000x128xf32, #tpu.memory_space<vmem_shared>>) offsets(%dma_start3A_103 : memref<80xi32, #tpu.memory_space<vmem>>) semaphore(%arg15 : memref<!tpu.dma_semaphore, #tpu.memory_space<semaphore_mem>>) {add = true}
    %dma_wait3A_107 = arith.constant 9840 : i32
    %dma_wait3A_108 = tpu.memref_slice %arg7[%dma_wait3A_107] : memref<10000xi32, #tpu.memory_space<vmem>> -> memref<80xi32, #tpu.memory_space<vmem>>
    %dma_wait3A_109 = arith.constant 0 : i32
    %dma_wait3A_110 = arith.constant 0 : i32
    %dma_wait3A_111 = tpu.memref_slice %arg2[%dma_wait3A_109, %dma_wait3A_110] : memref<10000x128xf32, #tpu.memory_space<hbm>> -> memref<10000x128xf32, #tpu.memory_space<hbm>>
    tpu.wait_indirect_dma semaphore(%arg13 : memref<!tpu.dma_semaphore, #tpu.memory_space<semaphore_mem>>) src(%dma_wait3A_111 : memref<10000x128xf32, #tpu.memory_space<hbm>>) dst(%arg9 : memref<80x128xf32, #tpu.memory_space<vmem>>)
    %dma_start3A_112 = arith.constant 9840 : i32
    %dma_start3A_113 = tpu.memref_slice %arg8[%dma_start3A_112] : memref<10000xi32, #tpu.memory_space<vmem>> -> memref<80xi32, #tpu.memory_space<vmem>>
    %dma_start3A_114 = arith.constant 0 : i32
    %dma_start3A_115 = arith.constant 0 : i32
    %dma_start3A_116 = tpu.memref_slice %arg12[%dma_start3A_114, %dma_start3A_115] : memref<10000x128xf32, #tpu.memory_space<vmem_shared>> -> memref<10000x128xf32, #tpu.memory_space<vmem_shared>>
    tpu.enqueue_indirect_dma source(%arg9 : memref<80x128xf32, #tpu.memory_space<vmem>>) target(%dma_start3A_116 : memref<10000x128xf32, #tpu.memory_space<vmem_shared>>) offsets(%dma_start3A_113 : memref<80xi32, #tpu.memory_space<vmem>>) semaphore(%arg13 : memref<!tpu.dma_semaphore, #tpu.memory_space<semaphore_mem>>) {add = true}
    %dma_wait3A_117 = arith.constant 9760 : i32
    %dma_wait3A_118 = tpu.memref_slice %arg8[%dma_wait3A_117] : memref<10000xi32, #tpu.memory_space<vmem>> -> memref<80xi32, #tpu.memory_space<vmem>>
    %dma_wait3A_119 = arith.constant 0 : i32
    %dma_wait3A_120 = arith.constant 0 : i32
    %dma_wait3A_121 = tpu.memref_slice %arg12[%dma_wait3A_119, %dma_wait3A_120] : memref<10000x128xf32, #tpu.memory_space<vmem_shared>> -> memref<10000x128xf32, #tpu.memory_space<vmem_shared>>
    tpu.wait_indirect_dma semaphore(%arg15 : memref<!tpu.dma_semaphore, #tpu.memory_space<semaphore_mem>>) src(%arg11 : memref<80x128xf32, #tpu.memory_space<vmem>>) dst(%dma_wait3A_121 : memref<10000x128xf32, #tpu.memory_space<vmem_shared>>)
    %dma_wait3A_122 = arith.constant 9920 : i32
    %dma_wait3A_123 = tpu.memref_slice %arg7[%dma_wait3A_122] : memref<10000xi32, #tpu.memory_space<vmem>> -> memref<80xi32, #tpu.memory_space<vmem>>
    %dma_wait3A_124 = arith.constant 0 : i32
    %dma_wait3A_125 = arith.constant 0 : i32
    %dma_wait3A_126 = tpu.memref_slice %arg2[%dma_wait3A_124, %dma_wait3A_125] : memref<10000x128xf32, #tpu.memory_space<hbm>> -> memref<10000x128xf32, #tpu.memory_space<hbm>>
    tpu.wait_indirect_dma semaphore(%arg14 : memref<!tpu.dma_semaphore, #tpu.memory_space<semaphore_mem>>) src(%dma_wait3A_126 : memref<10000x128xf32, #tpu.memory_space<hbm>>) dst(%arg10 : memref<80x128xf32, #tpu.memory_space<vmem>>)
    %dma_start3A_127 = arith.constant 9920 : i32
    %dma_start3A_128 = tpu.memref_slice %arg8[%dma_start3A_127] : memref<10000xi32, #tpu.memory_space<vmem>> -> memref<80xi32, #tpu.memory_space<vmem>>
    %dma_start3A_129 = arith.constant 0 : i32
    %dma_start3A_130 = arith.constant 0 : i32
    %dma_start3A_131 = tpu.memref_slice %arg12[%dma_start3A_129, %dma_start3A_130] : memref<10000x128xf32, #tpu.memory_space<vmem_shared>> -> memref<10000x128xf32, #tpu.memory_space<vmem_shared>>
    tpu.enqueue_indirect_dma source(%arg10 : memref<80x128xf32, #tpu.memory_space<vmem>>) target(%dma_start3A_131 : memref<10000x128xf32, #tpu.memory_space<vmem_shared>>) offsets(%dma_start3A_128 : memref<80xi32, #tpu.memory_space<vmem>>) semaphore(%arg14 : memref<!tpu.dma_semaphore, #tpu.memory_space<semaphore_mem>>) {add = true}
    %dma_wait3A_132 = arith.constant 9840 : i32
    %dma_wait3A_133 = tpu.memref_slice %arg8[%dma_wait3A_132] : memref<10000xi32, #tpu.memory_space<vmem>> -> memref<80xi32, #tpu.memory_space<vmem>>
    %dma_wait3A_134 = arith.constant 0 : i32
    %dma_wait3A_135 = arith.constant 0 : i32
    %dma_wait3A_136 = tpu.memref_slice %arg12[%dma_wait3A_134, %dma_wait3A_135] : memref<10000x128xf32, #tpu.memory_space<vmem_shared>> -> memref<10000x128xf32, #tpu.memory_space<vmem_shared>>
    tpu.wait_indirect_dma semaphore(%arg13 : memref<!tpu.dma_semaphore, #tpu.memory_space<semaphore_mem>>) src(%arg9 : memref<80x128xf32, #tpu.memory_space<vmem>>) dst(%dma_wait3A_136 : memref<10000x128xf32, #tpu.memory_space<vmem_shared>>)
    %dma_wait3A_137 = arith.constant 9920 : i32
    %dma_wait3A_138 = tpu.memref_slice %arg8[%dma_wait3A_137] : memref<10000xi32, #tpu.memory_space<vmem>> -> memref<80xi32, #tpu.memory_space<vmem>>
    %dma_wait3A_139 = arith.constant 0 : i32
    %dma_wait3A_140 = arith.constant 0 : i32
    %dma_wait3A_141 = tpu.memref_slice %arg12[%dma_wait3A_139, %dma_wait3A_140] : memref<10000x128xf32, #tpu.memory_space<vmem_shared>> -> memref<10000x128xf32, #tpu.memory_space<vmem_shared>>
    tpu.wait_indirect_dma semaphore(%arg14 : memref<!tpu.dma_semaphore, #tpu.memory_space<semaphore_mem>>) src(%arg10 : memref<80x128xf32, #tpu.memory_space<vmem>>) dst(%dma_wait3A_141 : memref<10000x128xf32, #tpu.memory_space<vmem_shared>>)
    %barrier3A_142 = arith.constant 0 : index
    tpu.barrier barrier_id(%barrier3A_142)
    "tpu.region"() ({
      %run_scoped3A = tpu.sem_alloc : memref<!tpu.dma_semaphore, #tpu.memory_space<semaphore_mem>>
      %dma_start3A_148 = arith.constant 0 : i32
      %dma_start3A_149 = tpu.memref_slice %arg6[%arg0, %mul3A_4, %dma_start3A_148] : memref<2x10000x128xf32, #tpu.memory_space<hbm>> -> memref<1x624x128xf32, #tpu.memory_space<hbm>>
      %dma_start3A_150 = tpu.memref_squeeze %dma_start3A_149 : memref<1x624x128xf32, #tpu.memory_space<hbm>> -> memref<624x128xf32, #tpu.memory_space<hbm>>
      %dma_start3A_151 = arith.constant 0 : i32
      %dma_start3A_152 = tpu.memref_slice %arg12[%mul3A_4, %dma_start3A_151] : memref<10000x128xf32, #tpu.memory_space<vmem_shared>> -> memref<624x128xf32, #tpu.memory_space<vmem_shared>>
      tpu.enqueue_dma source(%dma_start3A_152 : memref<624x128xf32, #tpu.memory_space<vmem_shared>>) target(%dma_start3A_150 : memref<624x128xf32, #tpu.memory_space<hbm>>) target_semaphore(%run_scoped3A : memref<!tpu.dma_semaphore, #tpu.memory_space<semaphore_mem>>)
      %dma_wait3A_153 = arith.constant 0 : i32
      %dma_wait3A_154 = tpu.memref_slice %arg6[%arg0, %mul3A_4, %dma_wait3A_153] : memref<2x10000x128xf32, #tpu.memory_space<hbm>> -> memref<1x624x128xf32, #tpu.memory_space<hbm>>
      %dma_wait3A_155 = tpu.memref_squeeze %dma_wait3A_154 : memref<1x624x128xf32, #tpu.memory_space<hbm>> -> memref<624x128xf32, #tpu.memory_space<hbm>>
      %dma_wait3A_156 = arith.constant 0 : i32
      %dma_wait3A_157 = tpu.memref_slice %arg12[%mul3A_4, %dma_wait3A_156] : memref<10000x128xf32, #tpu.memory_space<vmem_shared>> -> memref<624x128xf32, #tpu.memory_space<vmem_shared>>
      tpu.wait_dma2 semaphore(%run_scoped3A : memref<!tpu.dma_semaphore, #tpu.memory_space<semaphore_mem>>) src(%dma_wait3A_157 : memref<624x128xf32, #tpu.memory_space<vmem_shared>>) dst(%dma_wait3A_155 : memref<624x128xf32, #tpu.memory_space<hbm>>)
      tpu.yield
    }) : () -> ()
    %eq3A_143 = arith.constant 15 : i32
    %eq3A_144 = arith.cmpi eq, %arg1, %eq3A_143 : i32
    %convert_element_type3A_145 = arith.extui %eq3A_144 : i1 to i32
    %cond3A_146 = arith.constant 0 : i32
    %cond3A_147 = arith.cmpi ne, %convert_element_type3A_145, %cond3A_146 : i32
    scf.if %cond3A_147 {
      "tpu.region"() ({
        %run_scoped3A = tpu.sem_alloc : memref<!tpu.dma_semaphore, #tpu.memory_space<semaphore_mem>>
        %dma_start3A_148 = arith.constant 9984 : i32
        %dma_start3A_149 = arith.constant 0 : i32
        %dma_start3A_150 = tpu.memref_slice %arg6[%arg0, %dma_start3A_148, %dma_start3A_149] : memref<2x10000x128xf32, #tpu.memory_space<hbm>> -> memref<1x16x128xf32, #tpu.memory_space<hbm>>
        %dma_start3A_151 = tpu.memref_squeeze %dma_start3A_150 : memref<1x16x128xf32, #tpu.memory_space<hbm>> -> memref<16x128xf32, #tpu.memory_space<hbm>>
        %dma_start3A_152 = arith.constant 9984 : i32
        %dma_start3A_153 = arith.constant 0 : i32
        %dma_start3A_154 = tpu.memref_slice %arg12[%dma_start3A_152, %dma_start3A_153] : memref<10000x128xf32, #tpu.memory_space<vmem_shared>> -> memref<16x128xf32, #tpu.memory_space<vmem_shared>>
        tpu.enqueue_dma source(%dma_start3A_154 : memref<16x128xf32, #tpu.memory_space<vmem_shared>>) target(%dma_start3A_151 : memref<16x128xf32, #tpu.memory_space<hbm>>) target_semaphore(%run_scoped3A : memref<!tpu.dma_semaphore, #tpu.memory_space<semaphore_mem>>)
        %dma_wait3A_155 = arith.constant 9984 : i32
        %dma_wait3A_156 = arith.constant 0 : i32
        %dma_wait3A_157 = tpu.memref_slice %arg6[%arg0, %dma_wait3A_155, %dma_wait3A_156] : memref<2x10000x128xf32, #tpu.memory_space<hbm>> -> memref<1x16x128xf32, #tpu.memory_space<hbm>>
        %dma_wait3A_158 = tpu.memref_squeeze %dma_wait3A_157 : memref<1x16x128xf32, #tpu.memory_space<hbm>> -> memref<16x128xf32, #tpu.memory_space<hbm>>
        %dma_wait3A_159 = arith.constant 9984 : i32
        %dma_wait3A_160 = arith.constant 0 : i32
        %dma_wait3A_161 = tpu.memref_slice %arg12[%dma_wait3A_159, %dma_wait3A_160] : memref<10000x128xf32, #tpu.memory_space<vmem_shared>> -> memref<16x128xf32, #tpu.memory_space<vmem_shared>>
        tpu.wait_dma2 semaphore(%run_scoped3A : memref<!tpu.dma_semaphore, #tpu.memory_space<semaphore_mem>>) src(%dma_wait3A_161 : memref<16x128xf32, #tpu.memory_space<vmem_shared>>) dst(%dma_wait3A_158 : memref<16x128xf32, #tpu.memory_space<hbm>>)
        tpu.yield
      }) : () -> ()
    } else {
    }
    return
  }
}

#map = affine_map<(d0, d1) -> (0, 0)>
#map1 = affine_map<(d0, d1) -> (0)>
#map2 = affine_map<(d0, d1) -> (0, 0, 0)>
module attributes {stable_mosaic.version = 14 : i64} {
  func.func @_sc_agg_body(%arg0: i32, %arg1: i32, %arg2: memref<10000x128xf32, #tpu.memory_space<hbm>>, %arg3: memref<320000xi32, #tpu.memory_space<hbm>>, %arg4: memref<320000xi32, #tpu.memory_space<hbm>>, %arg5: memref<10000x128xf32, #tpu.memory_space<hbm>>, %arg6: memref<2x10000x128xf32, #tpu.memory_space<hbm>>, %arg7: memref<10000xi32, #tpu.memory_space<vmem>>, %arg8: memref<10000xi32, #tpu.memory_space<vmem>>, %arg9: memref<80x128xf32, #tpu.memory_space<vmem>>, %arg10: memref<80x128xf32, #tpu.memory_space<vmem>>, %arg11: memref<80x128xf32, #tpu.memory_space<vmem>>, %arg12: memref<10000x128xf32, #tpu.memory_space<vmem_shared>>, %arg13: memref<!tpu.dma_semaphore, #tpu.memory_space<semaphore_mem>>, %arg14: memref<!tpu.dma_semaphore, #tpu.memory_space<semaphore_mem>>, %arg15: memref<!tpu.dma_semaphore, #tpu.memory_space<semaphore_mem>>) attributes {dimension_semantics = [#tpu.dimension_semantics<core_parallel>, #tpu.dimension_semantics<subcore_parallel>], iteration_bounds = array<i64: 2, 16>, scalar_prefetch = 0 : i64, scratch_operands = 9 : i64, tpu.core_type = #tpu.core_type<sc_vector_subcore>, window_params = [{transform_indices = #map}, {transform_indices = #map1}, {transform_indices = #map1}, {transform_indices = #map}, {transform_indices = #map2}]} {
    %mul3A = arith.constant 16 : i32
    %mul3A_0 = arith.muli %arg0, %mul3A : i32
    %add3A = arith.addi %mul3A_0, %arg1 : i32
    %mul3A_1 = arith.constant 10000 : i32
    %mul3A_2 = arith.muli %add3A, %mul3A_1 : i32
    %mul3A_3 = arith.constant 624 : i32
    %mul3A_4 = arith.muli %arg1, %mul3A_3 : i32
    %dma_start3A = tpu.memref_slice %arg3[%mul3A_2] : memref<320000xi32, #tpu.memory_space<hbm>> -> memref<10000xi32, #tpu.memory_space<hbm>>
    %dma_start3A_5 = tpu.memref_slice %arg3[%mul3A_2] : memref<320000xi32, #tpu.memory_space<hbm>> -> memref<10000xi32, #tpu.memory_space<hbm>>
    tpu.enqueue_dma source(%dma_start3A_5 : memref<10000xi32, #tpu.memory_space<hbm>>) target(%arg7 : memref<10000xi32, #tpu.memory_space<vmem>>) target_semaphore(%arg13 : memref<!tpu.dma_semaphore, #tpu.memory_space<semaphore_mem>>)
    %dma_start3A_6 = tpu.memref_slice %arg4[%mul3A_2] : memref<320000xi32, #tpu.memory_space<hbm>> -> memref<10000xi32, #tpu.memory_space<hbm>>
    %dma_start3A_7 = tpu.memref_slice %arg4[%mul3A_2] : memref<320000xi32, #tpu.memory_space<hbm>> -> memref<10000xi32, #tpu.memory_space<hbm>>
    tpu.enqueue_dma source(%dma_start3A_7 : memref<10000xi32, #tpu.memory_space<hbm>>) target(%arg8 : memref<10000xi32, #tpu.memory_space<vmem>>) target_semaphore(%arg14 : memref<!tpu.dma_semaphore, #tpu.memory_space<semaphore_mem>>)
    %eq3A = arith.constant 0 : i32
    %eq3A_8 = arith.cmpi eq, %arg0, %eq3A : i32
    %convert_element_type3A = arith.extui %eq3A_8 : i1 to i32
    %cond3A = arith.constant 0 : i32
    %cond3A_9 = arith.cmpi ne, %convert_element_type3A, %cond3A : i32
    scf.if %cond3A_9 {
      %dma_start3A_148 = arith.constant 0 : i32
      %dma_start3A_149 = tpu.memref_slice %arg12[%mul3A_4, %dma_start3A_148] : memref<10000x128xf32, #tpu.memory_space<vmem_shared>> -> memref<624x128xf32, #tpu.memory_space<vmem_shared>>
      %dma_start3A_150 = arith.constant 0 : i32
      %dma_start3A_151 = tpu.memref_slice %arg2[%mul3A_4, %dma_start3A_150] : memref<10000x128xf32, #tpu.memory_space<hbm>> -> memref<624x128xf32, #tpu.memory_space<hbm>>
      tpu.enqueue_dma source(%dma_start3A_151 : memref<624x128xf32, #tpu.memory_space<hbm>>) target(%dma_start3A_149 : memref<624x128xf32, #tpu.memory_space<vmem_shared>>) target_semaphore(%arg15 : memref<!tpu.dma_semaphore, #tpu.memory_space<semaphore_mem>>)
    } else {
    }
    %eq3A_10 = arith.constant 1 : i32
    %eq3A_11 = arith.cmpi eq, %arg0, %eq3A_10 : i32
    %convert_element_type3A_12 = arith.extui %eq3A_11 : i1 to i32
    %cond3A_13 = arith.constant 0 : i32
    %cond3A_14 = arith.cmpi ne, %convert_element_type3A_12, %cond3A_13 : i32
    scf.if %cond3A_14 {
      %dma_start3A_148 = arith.constant 0 : i32
      %dma_start3A_149 = tpu.memref_slice %arg12[%mul3A_4, %dma_start3A_148] : memref<10000x128xf32, #tpu.memory_space<vmem_shared>> -> memref<624x128xf32, #tpu.memory_space<vmem_shared>>
      %dma_start3A_150 = arith.constant 0 : i32
      %dma_start3A_151 = tpu.memref_slice %arg5[%mul3A_4, %dma_start3A_150] : memref<10000x128xf32, #tpu.memory_space<hbm>> -> memref<624x128xf32, #tpu.memory_space<hbm>>
      tpu.enqueue_dma source(%dma_start3A_151 : memref<624x128xf32, #tpu.memory_space<hbm>>) target(%dma_start3A_149 : memref<624x128xf32, #tpu.memory_space<vmem_shared>>) target_semaphore(%arg15 : memref<!tpu.dma_semaphore, #tpu.memory_space<semaphore_mem>>)
    } else {
    }
    %dma_wait3A = tpu.memref_slice %arg3[%mul3A_2] : memref<320000xi32, #tpu.memory_space<hbm>> -> memref<10000xi32, #tpu.memory_space<hbm>>
    %dma_wait3A_15 = tpu.memref_slice %arg3[%mul3A_2] : memref<320000xi32, #tpu.memory_space<hbm>> -> memref<10000xi32, #tpu.memory_space<hbm>>
    tpu.wait_dma2 semaphore(%arg13 : memref<!tpu.dma_semaphore, #tpu.memory_space<semaphore_mem>>) src(%dma_wait3A_15 : memref<10000xi32, #tpu.memory_space<hbm>>) dst(%arg7 : memref<10000xi32, #tpu.memory_space<vmem>>)
    %dma_wait3A_16 = tpu.memref_slice %arg4[%mul3A_2] : memref<320000xi32, #tpu.memory_space<hbm>> -> memref<10000xi32, #tpu.memory_space<hbm>>
    %dma_wait3A_17 = tpu.memref_slice %arg4[%mul3A_2] : memref<320000xi32, #tpu.memory_space<hbm>> -> memref<10000xi32, #tpu.memory_space<hbm>>
    tpu.wait_dma2 semaphore(%arg14 : memref<!tpu.dma_semaphore, #tpu.memory_space<semaphore_mem>>) src(%dma_wait3A_17 : memref<10000xi32, #tpu.memory_space<hbm>>) dst(%arg8 : memref<10000xi32, #tpu.memory_space<vmem>>)
    %dma_start3A_18 = arith.constant 0 : i32
    %dma_start3A_19 = tpu.memref_slice %arg7[%dma_start3A_18] : memref<10000xi32, #tpu.memory_space<vmem>> -> memref<80xi32, #tpu.memory_space<vmem>>
    %dma_start3A_20 = arith.constant 0 : i32
    %dma_start3A_21 = arith.constant 0 : i32
    %dma_start3A_22 = tpu.memref_slice %arg2[%dma_start3A_20, %dma_start3A_21] : memref<10000x128xf32, #tpu.memory_space<hbm>> -> memref<10000x128xf32, #tpu.memory_space<hbm>>
    tpu.enqueue_indirect_dma source(%dma_start3A_22 : memref<10000x128xf32, #tpu.memory_space<hbm>>) target(%arg9 : memref<80x128xf32, #tpu.memory_space<vmem>>) offsets(%dma_start3A_19 : memref<80xi32, #tpu.memory_space<vmem>>) semaphore(%arg13 : memref<!tpu.dma_semaphore, #tpu.memory_space<semaphore_mem>>)
    %dma_start3A_23 = arith.constant 80 : i32
    %dma_start3A_24 = tpu.memref_slice %arg7[%dma_start3A_23] : memref<10000xi32, #tpu.memory_space<vmem>> -> memref<80xi32, #tpu.memory_space<vmem>>
    %dma_start3A_25 = arith.constant 0 : i32
    %dma_start3A_26 = arith.constant 0 : i32
    %dma_start3A_27 = tpu.memref_slice %arg2[%dma_start3A_25, %dma_start3A_26] : memref<10000x128xf32, #tpu.memory_space<hbm>> -> memref<10000x128xf32, #tpu.memory_space<hbm>>
    tpu.enqueue_indirect_dma source(%dma_start3A_27 : memref<10000x128xf32, #tpu.memory_space<hbm>>) target(%arg10 : memref<80x128xf32, #tpu.memory_space<vmem>>) offsets(%dma_start3A_24 : memref<80xi32, #tpu.memory_space<vmem>>) semaphore(%arg14 : memref<!tpu.dma_semaphore, #tpu.memory_space<semaphore_mem>>)
    %dma_wait3A_28 = arith.constant 0 : i32
    %dma_wait3A_29 = tpu.memref_slice %arg12[%mul3A_4, %dma_wait3A_28] : memref<10000x128xf32, #tpu.memory_space<vmem_shared>> -> memref<624x128xf32, #tpu.memory_space<vmem_shared>>
    %dma_wait3A_30 = arith.constant 0 : i32
    %dma_wait3A_31 = tpu.memref_slice %arg5[%mul3A_4, %dma_wait3A_30] : memref<10000x128xf32, #tpu.memory_space<hbm>> -> memref<624x128xf32, #tpu.memory_space<hbm>>
    tpu.wait_dma2 semaphore(%arg15 : memref<!tpu.dma_semaphore, #tpu.memory_space<semaphore_mem>>) src(%dma_wait3A_31 : memref<624x128xf32, #tpu.memory_space<hbm>>) dst(%dma_wait3A_29 : memref<624x128xf32, #tpu.memory_space<vmem_shared>>)
    %eq3A_32 = arith.constant 15 : i32
    %eq3A_33 = arith.cmpi eq, %arg1, %eq3A_32 : i32
    %eq3A_34 = arith.constant 0 : i32
    %eq3A_35 = arith.cmpi eq, %arg0, %eq3A_34 : i32
    %and3A = arith.andi %eq3A_33, %eq3A_35 : i1
    %convert_element_type3A_36 = arith.extui %and3A : i1 to i32
    %cond3A_37 = arith.constant 0 : i32
    %cond3A_38 = arith.cmpi ne, %convert_element_type3A_36, %cond3A_37 : i32
    scf.if %cond3A_38 {
      "tpu.region"() ({
        %run_scoped3A = tpu.sem_alloc : memref<!tpu.dma_semaphore, #tpu.memory_space<semaphore_mem>>
        %dma_start3A_148 = arith.constant 9984 : i32
        %dma_start3A_149 = arith.constant 0 : i32
        %dma_start3A_150 = tpu.memref_slice %arg12[%dma_start3A_148, %dma_start3A_149] : memref<10000x128xf32, #tpu.memory_space<vmem_shared>> -> memref<16x128xf32, #tpu.memory_space<vmem_shared>>
        %dma_start3A_151 = arith.constant 9984 : i32
        %dma_start3A_152 = arith.constant 0 : i32
        %dma_start3A_153 = tpu.memref_slice %arg2[%dma_start3A_151, %dma_start3A_152] : memref<10000x128xf32, #tpu.memory_space<hbm>> -> memref<16x128xf32, #tpu.memory_space<hbm>>
        tpu.enqueue_dma source(%dma_start3A_153 : memref<16x128xf32, #tpu.memory_space<hbm>>) target(%dma_start3A_150 : memref<16x128xf32, #tpu.memory_space<vmem_shared>>) target_semaphore(%run_scoped3A : memref<!tpu.dma_semaphore, #tpu.memory_space<semaphore_mem>>)
        %dma_wait3A_154 = arith.constant 9984 : i32
        %dma_wait3A_155 = arith.constant 0 : i32
        %dma_wait3A_156 = tpu.memref_slice %arg12[%dma_wait3A_154, %dma_wait3A_155] : memref<10000x128xf32, #tpu.memory_space<vmem_shared>> -> memref<16x128xf32, #tpu.memory_space<vmem_shared>>
        %dma_wait3A_157 = arith.constant 9984 : i32
        %dma_wait3A_158 = arith.constant 0 : i32
        %dma_wait3A_159 = tpu.memref_slice %arg2[%dma_wait3A_157, %dma_wait3A_158] : memref<10000x128xf32, #tpu.memory_space<hbm>> -> memref<16x128xf32, #tpu.memory_space<hbm>>
        tpu.wait_dma2 semaphore(%run_scoped3A : memref<!tpu.dma_semaphore, #tpu.memory_space<semaphore_mem>>) src(%dma_wait3A_159 : memref<16x128xf32, #tpu.memory_space<hbm>>) dst(%dma_wait3A_156 : memref<16x128xf32, #tpu.memory_space<vmem_shared>>)
        tpu.yield
      }) : () -> ()
    } else {
    }
    %eq3A_39 = arith.constant 15 : i32
    %eq3A_40 = arith.cmpi eq, %arg1, %eq3A_39 : i32
    %eq3A_41 = arith.constant 1 : i32
    %eq3A_42 = arith.cmpi eq, %arg0, %eq3A_41 : i32
    %and3A_43 = arith.andi %eq3A_40, %eq3A_42 : i1
    %convert_element_type3A_44 = arith.extui %and3A_43 : i1 to i32
    %cond3A_45 = arith.constant 0 : i32
    %cond3A_46 = arith.cmpi ne, %convert_element_type3A_44, %cond3A_45 : i32
    scf.if %cond3A_46 {
      "tpu.region"() ({
        %run_scoped3A = tpu.sem_alloc : memref<!tpu.dma_semaphore, #tpu.memory_space<semaphore_mem>>
        %dma_start3A_148 = arith.constant 9984 : i32
        %dma_start3A_149 = arith.constant 0 : i32
        %dma_start3A_150 = tpu.memref_slice %arg12[%dma_start3A_148, %dma_start3A_149] : memref<10000x128xf32, #tpu.memory_space<vmem_shared>> -> memref<16x128xf32, #tpu.memory_space<vmem_shared>>
        %dma_start3A_151 = arith.constant 9984 : i32
        %dma_start3A_152 = arith.constant 0 : i32
        %dma_start3A_153 = tpu.memref_slice %arg5[%dma_start3A_151, %dma_start3A_152] : memref<10000x128xf32, #tpu.memory_space<hbm>> -> memref<16x128xf32, #tpu.memory_space<hbm>>
        tpu.enqueue_dma source(%dma_start3A_153 : memref<16x128xf32, #tpu.memory_space<hbm>>) target(%dma_start3A_150 : memref<16x128xf32, #tpu.memory_space<vmem_shared>>) target_semaphore(%run_scoped3A : memref<!tpu.dma_semaphore, #tpu.memory_space<semaphore_mem>>)
        %dma_wait3A_154 = arith.constant 9984 : i32
        %dma_wait3A_155 = arith.constant 0 : i32
        %dma_wait3A_156 = tpu.memref_slice %arg12[%dma_wait3A_154, %dma_wait3A_155] : memref<10000x128xf32, #tpu.memory_space<vmem_shared>> -> memref<16x128xf32, #tpu.memory_space<vmem_shared>>
        %dma_wait3A_157 = arith.constant 9984 : i32
        %dma_wait3A_158 = arith.constant 0 : i32
        %dma_wait3A_159 = tpu.memref_slice %arg5[%dma_wait3A_157, %dma_wait3A_158] : memref<10000x128xf32, #tpu.memory_space<hbm>> -> memref<16x128xf32, #tpu.memory_space<hbm>>
        tpu.wait_dma2 semaphore(%run_scoped3A : memref<!tpu.dma_semaphore, #tpu.memory_space<semaphore_mem>>) src(%dma_wait3A_159 : memref<16x128xf32, #tpu.memory_space<hbm>>) dst(%dma_wait3A_156 : memref<16x128xf32, #tpu.memory_space<vmem_shared>>)
        tpu.yield
      }) : () -> ()
    } else {
    }
    %barrier3A = arith.constant 0 : index
    tpu.barrier barrier_id(%barrier3A)
    %dma_wait3A_47 = arith.constant 0 : i32
    %dma_wait3A_48 = tpu.memref_slice %arg7[%dma_wait3A_47] : memref<10000xi32, #tpu.memory_space<vmem>> -> memref<80xi32, #tpu.memory_space<vmem>>
    %dma_wait3A_49 = arith.constant 0 : i32
    %dma_wait3A_50 = arith.constant 0 : i32
    %dma_wait3A_51 = tpu.memref_slice %arg2[%dma_wait3A_49, %dma_wait3A_50] : memref<10000x128xf32, #tpu.memory_space<hbm>> -> memref<10000x128xf32, #tpu.memory_space<hbm>>
    tpu.wait_indirect_dma semaphore(%arg13 : memref<!tpu.dma_semaphore, #tpu.memory_space<semaphore_mem>>) src(%dma_wait3A_51 : memref<10000x128xf32, #tpu.memory_space<hbm>>) dst(%arg9 : memref<80x128xf32, #tpu.memory_space<vmem>>)
    %dma_start3A_52 = arith.constant 0 : i32
    %dma_start3A_53 = tpu.memref_slice %arg8[%dma_start3A_52] : memref<10000xi32, #tpu.memory_space<vmem>> -> memref<80xi32, #tpu.memory_space<vmem>>
    %dma_start3A_54 = arith.constant 0 : i32
    %dma_start3A_55 = arith.constant 0 : i32
    %dma_start3A_56 = tpu.memref_slice %arg12[%dma_start3A_54, %dma_start3A_55] : memref<10000x128xf32, #tpu.memory_space<vmem_shared>> -> memref<10000x128xf32, #tpu.memory_space<vmem_shared>>
    tpu.enqueue_indirect_dma source(%arg9 : memref<80x128xf32, #tpu.memory_space<vmem>>) target(%dma_start3A_56 : memref<10000x128xf32, #tpu.memory_space<vmem_shared>>) offsets(%dma_start3A_53 : memref<80xi32, #tpu.memory_space<vmem>>) semaphore(%arg13 : memref<!tpu.dma_semaphore, #tpu.memory_space<semaphore_mem>>) {add = true}
    %dma_start3A_57 = arith.constant 160 : i32
    %dma_start3A_58 = tpu.memref_slice %arg7[%dma_start3A_57] : memref<10000xi32, #tpu.memory_space<vmem>> -> memref<80xi32, #tpu.memory_space<vmem>>
    %dma_start3A_59 = arith.constant 0 : i32
    %dma_start3A_60 = arith.constant 0 : i32
    %dma_start3A_61 = tpu.memref_slice %arg2[%dma_start3A_59, %dma_start3A_60] : memref<10000x128xf32, #tpu.memory_space<hbm>> -> memref<10000x128xf32, #tpu.memory_space<hbm>>
    tpu.enqueue_indirect_dma source(%dma_start3A_61 : memref<10000x128xf32, #tpu.memory_space<hbm>>) target(%arg11 : memref<80x128xf32, #tpu.memory_space<vmem>>) offsets(%dma_start3A_58 : memref<80xi32, #tpu.memory_space<vmem>>) semaphore(%arg15 : memref<!tpu.dma_semaphore, #tpu.memory_space<semaphore_mem>>)
    %dma_wait3A_62 = arith.constant 0 : i32
    %dma_wait3A_63 = tpu.memref_slice %arg8[%dma_wait3A_62] : memref<10000xi32, #tpu.memory_space<vmem>> -> memref<80xi32, #tpu.memory_space<vmem>>
    %dma_wait3A_64 = arith.constant 0 : i32
    %dma_wait3A_65 = arith.constant 0 : i32
    %dma_wait3A_66 = tpu.memref_slice %arg12[%dma_wait3A_64, %dma_wait3A_65] : memref<10000x128xf32, #tpu.memory_space<vmem_shared>> -> memref<10000x128xf32, #tpu.memory_space<vmem_shared>>
    tpu.wait_indirect_dma semaphore(%arg13 : memref<!tpu.dma_semaphore, #tpu.memory_space<semaphore_mem>>) src(%arg9 : memref<80x128xf32, #tpu.memory_space<vmem>>) dst(%dma_wait3A_66 : memref<10000x128xf32, #tpu.memory_space<vmem_shared>>)
    %dma_start3A_67 = arith.constant 240 : i32
    %dma_start3A_68 = tpu.memref_slice %arg7[%dma_start3A_67] : memref<10000xi32, #tpu.memory_space<vmem>> -> memref<80xi32, #tpu.memory_space<vmem>>
    %dma_start3A_69 = arith.constant 0 : i32
    %dma_start3A_70 = arith.constant 0 : i32
    %dma_start3A_71 = tpu.memref_slice %arg2[%dma_start3A_69, %dma_start3A_70] : memref<10000x128xf32, #tpu.memory_space<hbm>> -> memref<10000x128xf32, #tpu.memory_space<hbm>>
    tpu.enqueue_indirect_dma source(%dma_start3A_71 : memref<10000x128xf32, #tpu.memory_space<hbm>>) target(%arg9 : memref<80x128xf32, #tpu.memory_space<vmem>>) offsets(%dma_start3A_68 : memref<80xi32, #tpu.memory_space<vmem>>) semaphore(%arg13 : memref<!tpu.dma_semaphore, #tpu.memory_space<semaphore_mem>>)
    %dma_wait3A_72 = arith.constant 80 : i32
    %dma_wait3A_73 = tpu.memref_slice %arg7[%dma_wait3A_72] : memref<10000xi32, #tpu.memory_space<vmem>> -> memref<80xi32, #tpu.memory_space<vmem>>
    %dma_wait3A_74 = arith.constant 0 : i32
    %dma_wait3A_75 = arith.constant 0 : i32
    %dma_wait3A_76 = tpu.memref_slice %arg2[%dma_wait3A_74, %dma_wait3A_75] : memref<10000x128xf32, #tpu.memory_space<hbm>> -> memref<10000x128xf32, #tpu.memory_space<hbm>>
    tpu.wait_indirect_dma semaphore(%arg14 : memref<!tpu.dma_semaphore, #tpu.memory_space<semaphore_mem>>) src(%dma_wait3A_76 : memref<10000x128xf32, #tpu.memory_space<hbm>>) dst(%arg10 : memref<80x128xf32, #tpu.memory_space<vmem>>)
    %dma_start3A_77 = arith.constant 80 : i32
    %dma_start3A_78 = tpu.memref_slice %arg8[%dma_start3A_77] : memref<10000xi32, #tpu.memory_space<vmem>> -> memref<80xi32, #tpu.memory_space<vmem>>
    %dma_start3A_79 = arith.constant 0 : i32
    %dma_start3A_80 = arith.constant 0 : i32
    %dma_start3A_81 = tpu.memref_slice %arg12[%dma_start3A_79, %dma_start3A_80] : memref<10000x128xf32, #tpu.memory_space<vmem_shared>> -> memref<10000x128xf32, #tpu.memory_space<vmem_shared>>
    tpu.enqueue_indirect_dma source(%arg10 : memref<80x128xf32, #tpu.memory_space<vmem>>) target(%dma_start3A_81 : memref<10000x128xf32, #tpu.memory_space<vmem_shared>>) offsets(%dma_start3A_78 : memref<80xi32, #tpu.memory_space<vmem>>) semaphore(%arg14 : memref<!tpu.dma_semaphore, #tpu.memory_space<semaphore_mem>>) {add = true}
    %scan3A = arith.constant 0 : i32
    %scan3A_82 = arith.constant 0 : i32
    %scan3A_83 = arith.constant 40 : i32
    %scan3A_84 = arith.addi %scan3A_82, %scan3A_83 : i32
    %scan3A_85 = arith.constant 1 : i32
    scf.for %scan3A_148 = %scan3A_82 to %scan3A_84 step %scan3A_85  : i32 {
      %mul3A_149 = arith.constant 3 : i32
      %mul3A_150 = arith.muli %mul3A_149, %scan3A_148 : i32
      %add3A_151 = arith.constant 2 : i32
      %add3A_152 = arith.addi %add3A_151, %mul3A_150 : i32
      %add3A_153 = arith.constant 0 : i32
      %add3A_154 = arith.addi %add3A_152, %add3A_153 : i32
      %sub3A = arith.constant 1 : i32
      %sub3A_155 = arith.subi %add3A_154, %sub3A : i32
      %mul3A_156 = arith.constant 80 : i32
      %mul3A_157 = arith.muli %sub3A_155, %mul3A_156 : i32
      %dma_wait3A_158 = tpu.memref_slice %arg8[%mul3A_157] : memref<10000xi32, #tpu.memory_space<vmem>> -> memref<80xi32, #tpu.memory_space<vmem>>
      %dma_wait3A_159 = arith.constant 0 : i32
      %dma_wait3A_160 = arith.constant 0 : i32
      %dma_wait3A_161 = tpu.memref_slice %arg12[%dma_wait3A_159, %dma_wait3A_160] : memref<10000x128xf32, #tpu.memory_space<vmem_shared>> -> memref<10000x128xf32, #tpu.memory_space<vmem_shared>>
      tpu.wait_indirect_dma semaphore(%arg14 : memref<!tpu.dma_semaphore, #tpu.memory_space<semaphore_mem>>) src(%arg10 : memref<80x128xf32, #tpu.memory_space<vmem>>) dst(%dma_wait3A_161 : memref<10000x128xf32, #tpu.memory_space<vmem_shared>>)
      %add3A_162 = arith.constant 2 : i32
      %add3A_163 = arith.addi %add3A_154, %add3A_162 : i32
      %mul3A_164 = arith.constant 80 : i32
      %mul3A_165 = arith.muli %add3A_163, %mul3A_164 : i32
      %dma_start3A_166 = tpu.memref_slice %arg7[%mul3A_165] : memref<10000xi32, #tpu.memory_space<vmem>> -> memref<80xi32, #tpu.memory_space<vmem>>
      %dma_start3A_167 = arith.constant 0 : i32
      %dma_start3A_168 = arith.constant 0 : i32
      %dma_start3A_169 = tpu.memref_slice %arg2[%dma_start3A_167, %dma_start3A_168] : memref<10000x128xf32, #tpu.memory_space<hbm>> -> memref<10000x128xf32, #tpu.memory_space<hbm>>
      tpu.enqueue_indirect_dma source(%dma_start3A_169 : memref<10000x128xf32, #tpu.memory_space<hbm>>) target(%arg10 : memref<80x128xf32, #tpu.memory_space<vmem>>) offsets(%dma_start3A_166 : memref<80xi32, #tpu.memory_space<vmem>>) semaphore(%arg14 : memref<!tpu.dma_semaphore, #tpu.memory_space<semaphore_mem>>)
      %mul3A_170 = arith.constant 80 : i32
      %mul3A_171 = arith.muli %add3A_154, %mul3A_170 : i32
      %dma_wait3A_172 = tpu.memref_slice %arg7[%mul3A_171] : memref<10000xi32, #tpu.memory_space<vmem>> -> memref<80xi32, #tpu.memory_space<vmem>>
      %dma_wait3A_173 = arith.constant 0 : i32
      %dma_wait3A_174 = arith.constant 0 : i32
      %dma_wait3A_175 = tpu.memref_slice %arg2[%dma_wait3A_173, %dma_wait3A_174] : memref<10000x128xf32, #tpu.memory_space<hbm>> -> memref<10000x128xf32, #tpu.memory_space<hbm>>
      tpu.wait_indirect_dma semaphore(%arg15 : memref<!tpu.dma_semaphore, #tpu.memory_space<semaphore_mem>>) src(%dma_wait3A_175 : memref<10000x128xf32, #tpu.memory_space<hbm>>) dst(%arg11 : memref<80x128xf32, #tpu.memory_space<vmem>>)
      %mul3A_176 = arith.constant 80 : i32
      %mul3A_177 = arith.muli %add3A_154, %mul3A_176 : i32
      %dma_start3A_178 = tpu.memref_slice %arg8[%mul3A_177] : memref<10000xi32, #tpu.memory_space<vmem>> -> memref<80xi32, #tpu.memory_space<vmem>>
      %dma_start3A_179 = arith.constant 0 : i32
      %dma_start3A_180 = arith.constant 0 : i32
      %dma_start3A_181 = tpu.memref_slice %arg12[%dma_start3A_179, %dma_start3A_180] : memref<10000x128xf32, #tpu.memory_space<vmem_shared>> -> memref<10000x128xf32, #tpu.memory_space<vmem_shared>>
      tpu.enqueue_indirect_dma source(%arg11 : memref<80x128xf32, #tpu.memory_space<vmem>>) target(%dma_start3A_181 : memref<10000x128xf32, #tpu.memory_space<vmem_shared>>) offsets(%dma_start3A_178 : memref<80xi32, #tpu.memory_space<vmem>>) semaphore(%arg15 : memref<!tpu.dma_semaphore, #tpu.memory_space<semaphore_mem>>) {add = true}
      %mul3A_182 = arith.constant 3 : i32
      %mul3A_183 = arith.muli %mul3A_182, %scan3A_148 : i32
      %add3A_184 = arith.constant 2 : i32
      %add3A_185 = arith.addi %add3A_184, %mul3A_183 : i32
      %add3A_186 = arith.constant 1 : i32
      %add3A_187 = arith.addi %add3A_185, %add3A_186 : i32
      %sub3A_188 = arith.constant 1 : i32
      %sub3A_189 = arith.subi %add3A_187, %sub3A_188 : i32
      %mul3A_190 = arith.constant 80 : i32
      %mul3A_191 = arith.muli %sub3A_189, %mul3A_190 : i32
      %dma_wait3A_192 = tpu.memref_slice %arg8[%mul3A_191] : memref<10000xi32, #tpu.memory_space<vmem>> -> memref<80xi32, #tpu.memory_space<vmem>>
      %dma_wait3A_193 = arith.constant 0 : i32
      %dma_wait3A_194 = arith.constant 0 : i32
      %dma_wait3A_195 = tpu.memref_slice %arg12[%dma_wait3A_193, %dma_wait3A_194] : memref<10000x128xf32, #tpu.memory_space<vmem_shared>> -> memref<10000x128xf32, #tpu.memory_space<vmem_shared>>
      tpu.wait_indirect_dma semaphore(%arg15 : memref<!tpu.dma_semaphore, #tpu.memory_space<semaphore_mem>>) src(%arg11 : memref<80x128xf32, #tpu.memory_space<vmem>>) dst(%dma_wait3A_195 : memref<10000x128xf32, #tpu.memory_space<vmem_shared>>)
      %add3A_196 = arith.constant 2 : i32
      %add3A_197 = arith.addi %add3A_187, %add3A_196 : i32
      %mul3A_198 = arith.constant 80 : i32
      %mul3A_199 = arith.muli %add3A_197, %mul3A_198 : i32
      %dma_start3A_200 = tpu.memref_slice %arg7[%mul3A_199] : memref<10000xi32, #tpu.memory_space<vmem>> -> memref<80xi32, #tpu.memory_space<vmem>>
      %dma_start3A_201 = arith.constant 0 : i32
      %dma_start3A_202 = arith.constant 0 : i32
      %dma_start3A_203 = tpu.memref_slice %arg2[%dma_start3A_201, %dma_start3A_202] : memref<10000x128xf32, #tpu.memory_space<hbm>> -> memref<10000x128xf32, #tpu.memory_space<hbm>>
      tpu.enqueue_indirect_dma source(%dma_start3A_203 : memref<10000x128xf32, #tpu.memory_space<hbm>>) target(%arg11 : memref<80x128xf32, #tpu.memory_space<vmem>>) offsets(%dma_start3A_200 : memref<80xi32, #tpu.memory_space<vmem>>) semaphore(%arg15 : memref<!tpu.dma_semaphore, #tpu.memory_space<semaphore_mem>>)
      %mul3A_204 = arith.constant 80 : i32
      %mul3A_205 = arith.muli %add3A_187, %mul3A_204 : i32
      %dma_wait3A_206 = tpu.memref_slice %arg7[%mul3A_205] : memref<10000xi32, #tpu.memory_space<vmem>> -> memref<80xi32, #tpu.memory_space<vmem>>
      %dma_wait3A_207 = arith.constant 0 : i32
      %dma_wait3A_208 = arith.constant 0 : i32
      %dma_wait3A_209 = tpu.memref_slice %arg2[%dma_wait3A_207, %dma_wait3A_208] : memref<10000x128xf32, #tpu.memory_space<hbm>> -> memref<10000x128xf32, #tpu.memory_space<hbm>>
      tpu.wait_indirect_dma semaphore(%arg13 : memref<!tpu.dma_semaphore, #tpu.memory_space<semaphore_mem>>) src(%dma_wait3A_209 : memref<10000x128xf32, #tpu.memory_space<hbm>>) dst(%arg9 : memref<80x128xf32, #tpu.memory_space<vmem>>)
      %mul3A_210 = arith.constant 80 : i32
      %mul3A_211 = arith.muli %add3A_187, %mul3A_210 : i32
      %dma_start3A_212 = tpu.memref_slice %arg8[%mul3A_211] : memref<10000xi32, #tpu.memory_space<vmem>> -> memref<80xi32, #tpu.memory_space<vmem>>
      %dma_start3A_213 = arith.constant 0 : i32
      %dma_start3A_214 = arith.constant 0 : i32
      %dma_start3A_215 = tpu.memref_slice %arg12[%dma_start3A_213, %dma_start3A_214] : memref<10000x128xf32, #tpu.memory_space<vmem_shared>> -> memref<10000x128xf32, #tpu.memory_space<vmem_shared>>
      tpu.enqueue_indirect_dma source(%arg9 : memref<80x128xf32, #tpu.memory_space<vmem>>) target(%dma_start3A_215 : memref<10000x128xf32, #tpu.memory_space<vmem_shared>>) offsets(%dma_start3A_212 : memref<80xi32, #tpu.memory_space<vmem>>) semaphore(%arg13 : memref<!tpu.dma_semaphore, #tpu.memory_space<semaphore_mem>>) {add = true}
      %mul3A_216 = arith.constant 3 : i32
      %mul3A_217 = arith.muli %mul3A_216, %scan3A_148 : i32
      %add3A_218 = arith.constant 2 : i32
      %add3A_219 = arith.addi %add3A_218, %mul3A_217 : i32
      %add3A_220 = arith.constant 2 : i32
      %add3A_221 = arith.addi %add3A_219, %add3A_220 : i32
      %sub3A_222 = arith.constant 1 : i32
      %sub3A_223 = arith.subi %add3A_221, %sub3A_222 : i32
      %mul3A_224 = arith.constant 80 : i32
      %mul3A_225 = arith.muli %sub3A_223, %mul3A_224 : i32
      %dma_wait3A_226 = tpu.memref_slice %arg8[%mul3A_225] : memref<10000xi32, #tpu.memory_space<vmem>> -> memref<80xi32, #tpu.memory_space<vmem>>
      %dma_wait3A_227 = arith.constant 0 : i32
      %dma_wait3A_228 = arith.constant 0 : i32
      %dma_wait3A_229 = tpu.memref_slice %arg12[%dma_wait3A_227, %dma_wait3A_228] : memref<10000x128xf32, #tpu.memory_space<vmem_shared>> -> memref<10000x128xf32, #tpu.memory_space<vmem_shared>>
      tpu.wait_indirect_dma semaphore(%arg13 : memref<!tpu.dma_semaphore, #tpu.memory_space<semaphore_mem>>) src(%arg9 : memref<80x128xf32, #tpu.memory_space<vmem>>) dst(%dma_wait3A_229 : memref<10000x128xf32, #tpu.memory_space<vmem_shared>>)
      %add3A_230 = arith.constant 2 : i32
      %add3A_231 = arith.addi %add3A_221, %add3A_230 : i32
      %mul3A_232 = arith.constant 80 : i32
      %mul3A_233 = arith.muli %add3A_231, %mul3A_232 : i32
      %dma_start3A_234 = tpu.memref_slice %arg7[%mul3A_233] : memref<10000xi32, #tpu.memory_space<vmem>> -> memref<80xi32, #tpu.memory_space<vmem>>
      %dma_start3A_235 = arith.constant 0 : i32
      %dma_start3A_236 = arith.constant 0 : i32
      %dma_start3A_237 = tpu.memref_slice %arg2[%dma_start3A_235, %dma_start3A_236] : memref<10000x128xf32, #tpu.memory_space<hbm>> -> memref<10000x128xf32, #tpu.memory_space<hbm>>
      tpu.enqueue_indirect_dma source(%dma_start3A_237 : memref<10000x128xf32, #tpu.memory_space<hbm>>) target(%arg9 : memref<80x128xf32, #tpu.memory_space<vmem>>) offsets(%dma_start3A_234 : memref<80xi32, #tpu.memory_space<vmem>>) semaphore(%arg13 : memref<!tpu.dma_semaphore, #tpu.memory_space<semaphore_mem>>)
      %mul3A_238 = arith.constant 80 : i32
      %mul3A_239 = arith.muli %add3A_221, %mul3A_238 : i32
      %dma_wait3A_240 = tpu.memref_slice %arg7[%mul3A_239] : memref<10000xi32, #tpu.memory_space<vmem>> -> memref<80xi32, #tpu.memory_space<vmem>>
      %dma_wait3A_241 = arith.constant 0 : i32
      %dma_wait3A_242 = arith.constant 0 : i32
      %dma_wait3A_243 = tpu.memref_slice %arg2[%dma_wait3A_241, %dma_wait3A_242] : memref<10000x128xf32, #tpu.memory_space<hbm>> -> memref<10000x128xf32, #tpu.memory_space<hbm>>
      tpu.wait_indirect_dma semaphore(%arg14 : memref<!tpu.dma_semaphore, #tpu.memory_space<semaphore_mem>>) src(%dma_wait3A_243 : memref<10000x128xf32, #tpu.memory_space<hbm>>) dst(%arg10 : memref<80x128xf32, #tpu.memory_space<vmem>>)
      %mul3A_244 = arith.constant 80 : i32
      %mul3A_245 = arith.muli %add3A_221, %mul3A_244 : i32
      %dma_start3A_246 = tpu.memref_slice %arg8[%mul3A_245] : memref<10000xi32, #tpu.memory_space<vmem>> -> memref<80xi32, #tpu.memory_space<vmem>>
      %dma_start3A_247 = arith.constant 0 : i32
      %dma_start3A_248 = arith.constant 0 : i32
      %dma_start3A_249 = tpu.memref_slice %arg12[%dma_start3A_247, %dma_start3A_248] : memref<10000x128xf32, #tpu.memory_space<vmem_shared>> -> memref<10000x128xf32, #tpu.memory_space<vmem_shared>>
      tpu.enqueue_indirect_dma source(%arg10 : memref<80x128xf32, #tpu.memory_space<vmem>>) target(%dma_start3A_249 : memref<10000x128xf32, #tpu.memory_space<vmem_shared>>) offsets(%dma_start3A_246 : memref<80xi32, #tpu.memory_space<vmem>>) semaphore(%arg14 : memref<!tpu.dma_semaphore, #tpu.memory_space<semaphore_mem>>) {add = true}
    }
    %scan3A_86 = arith.constant 40 : i32
    %dma_wait3A_87 = arith.constant 9680 : i32
    %dma_wait3A_88 = tpu.memref_slice %arg8[%dma_wait3A_87] : memref<10000xi32, #tpu.memory_space<vmem>> -> memref<80xi32, #tpu.memory_space<vmem>>
    %dma_wait3A_89 = arith.constant 0 : i32
    %dma_wait3A_90 = arith.constant 0 : i32
    %dma_wait3A_91 = tpu.memref_slice %arg12[%dma_wait3A_89, %dma_wait3A_90] : memref<10000x128xf32, #tpu.memory_space<vmem_shared>> -> memref<10000x128xf32, #tpu.memory_space<vmem_shared>>
    tpu.wait_indirect_dma semaphore(%arg14 : memref<!tpu.dma_semaphore, #tpu.memory_space<semaphore_mem>>) src(%arg10 : memref<80x128xf32, #tpu.memory_space<vmem>>) dst(%dma_wait3A_91 : memref<10000x128xf32, #tpu.memory_space<vmem_shared>>)
    %dma_start3A_92 = arith.constant 9920 : i32
    %dma_start3A_93 = tpu.memref_slice %arg7[%dma_start3A_92] : memref<10000xi32, #tpu.memory_space<vmem>> -> memref<80xi32, #tpu.memory_space<vmem>>
    %dma_start3A_94 = arith.constant 0 : i32
    %dma_start3A_95 = arith.constant 0 : i32
    %dma_start3A_96 = tpu.memref_slice %arg2[%dma_start3A_94, %dma_start3A_95] : memref<10000x128xf32, #tpu.memory_space<hbm>> -> memref<10000x128xf32, #tpu.memory_space<hbm>>
    tpu.enqueue_indirect_dma source(%dma_start3A_96 : memref<10000x128xf32, #tpu.memory_space<hbm>>) target(%arg10 : memref<80x128xf32, #tpu.memory_space<vmem>>) offsets(%dma_start3A_93 : memref<80xi32, #tpu.memory_space<vmem>>) semaphore(%arg14 : memref<!tpu.dma_semaphore, #tpu.memory_space<semaphore_mem>>)
    %dma_wait3A_97 = arith.constant 9760 : i32
    %dma_wait3A_98 = tpu.memref_slice %arg7[%dma_wait3A_97] : memref<10000xi32, #tpu.memory_space<vmem>> -> memref<80xi32, #tpu.memory_space<vmem>>
    %dma_wait3A_99 = arith.constant 0 : i32
    %dma_wait3A_100 = arith.constant 0 : i32
    %dma_wait3A_101 = tpu.memref_slice %arg2[%dma_wait3A_99, %dma_wait3A_100] : memref<10000x128xf32, #tpu.memory_space<hbm>> -> memref<10000x128xf32, #tpu.memory_space<hbm>>
    tpu.wait_indirect_dma semaphore(%arg15 : memref<!tpu.dma_semaphore, #tpu.memory_space<semaphore_mem>>) src(%dma_wait3A_101 : memref<10000x128xf32, #tpu.memory_space<hbm>>) dst(%arg11 : memref<80x128xf32, #tpu.memory_space<vmem>>)
    %dma_start3A_102 = arith.constant 9760 : i32
    %dma_start3A_103 = tpu.memref_slice %arg8[%dma_start3A_102] : memref<10000xi32, #tpu.memory_space<vmem>> -> memref<80xi32, #tpu.memory_space<vmem>>
    %dma_start3A_104 = arith.constant 0 : i32
    %dma_start3A_105 = arith.constant 0 : i32
    %dma_start3A_106 = tpu.memref_slice %arg12[%dma_start3A_104, %dma_start3A_105] : memref<10000x128xf32, #tpu.memory_space<vmem_shared>> -> memref<10000x128xf32, #tpu.memory_space<vmem_shared>>
    tpu.enqueue_indirect_dma source(%arg11 : memref<80x128xf32, #tpu.memory_space<vmem>>) target(%dma_start3A_106 : memref<10000x128xf32, #tpu.memory_space<vmem_shared>>) offsets(%dma_start3A_103 : memref<80xi32, #tpu.memory_space<vmem>>) semaphore(%arg15 : memref<!tpu.dma_semaphore, #tpu.memory_space<semaphore_mem>>) {add = true}
    %dma_wait3A_107 = arith.constant 9840 : i32
    %dma_wait3A_108 = tpu.memref_slice %arg7[%dma_wait3A_107] : memref<10000xi32, #tpu.memory_space<vmem>> -> memref<80xi32, #tpu.memory_space<vmem>>
    %dma_wait3A_109 = arith.constant 0 : i32
    %dma_wait3A_110 = arith.constant 0 : i32
    %dma_wait3A_111 = tpu.memref_slice %arg2[%dma_wait3A_109, %dma_wait3A_110] : memref<10000x128xf32, #tpu.memory_space<hbm>> -> memref<10000x128xf32, #tpu.memory_space<hbm>>
    tpu.wait_indirect_dma semaphore(%arg13 : memref<!tpu.dma_semaphore, #tpu.memory_space<semaphore_mem>>) src(%dma_wait3A_111 : memref<10000x128xf32, #tpu.memory_space<hbm>>) dst(%arg9 : memref<80x128xf32, #tpu.memory_space<vmem>>)
    %dma_start3A_112 = arith.constant 9840 : i32
    %dma_start3A_113 = tpu.memref_slice %arg8[%dma_start3A_112] : memref<10000xi32, #tpu.memory_space<vmem>> -> memref<80xi32, #tpu.memory_space<vmem>>
    %dma_start3A_114 = arith.constant 0 : i32
    %dma_start3A_115 = arith.constant 0 : i32
    %dma_start3A_116 = tpu.memref_slice %arg12[%dma_start3A_114, %dma_start3A_115] : memref<10000x128xf32, #tpu.memory_space<vmem_shared>> -> memref<10000x128xf32, #tpu.memory_space<vmem_shared>>
    tpu.enqueue_indirect_dma source(%arg9 : memref<80x128xf32, #tpu.memory_space<vmem>>) target(%dma_start3A_116 : memref<10000x128xf32, #tpu.memory_space<vmem_shared>>) offsets(%dma_start3A_113 : memref<80xi32, #tpu.memory_space<vmem>>) semaphore(%arg13 : memref<!tpu.dma_semaphore, #tpu.memory_space<semaphore_mem>>) {add = true}
    %dma_wait3A_117 = arith.constant 9760 : i32
    %dma_wait3A_118 = tpu.memref_slice %arg8[%dma_wait3A_117] : memref<10000xi32, #tpu.memory_space<vmem>> -> memref<80xi32, #tpu.memory_space<vmem>>
    %dma_wait3A_119 = arith.constant 0 : i32
    %dma_wait3A_120 = arith.constant 0 : i32
    %dma_wait3A_121 = tpu.memref_slice %arg12[%dma_wait3A_119, %dma_wait3A_120] : memref<10000x128xf32, #tpu.memory_space<vmem_shared>> -> memref<10000x128xf32, #tpu.memory_space<vmem_shared>>
    tpu.wait_indirect_dma semaphore(%arg15 : memref<!tpu.dma_semaphore, #tpu.memory_space<semaphore_mem>>) src(%arg11 : memref<80x128xf32, #tpu.memory_space<vmem>>) dst(%dma_wait3A_121 : memref<10000x128xf32, #tpu.memory_space<vmem_shared>>)
    %dma_wait3A_122 = arith.constant 9920 : i32
    %dma_wait3A_123 = tpu.memref_slice %arg7[%dma_wait3A_122] : memref<10000xi32, #tpu.memory_space<vmem>> -> memref<80xi32, #tpu.memory_space<vmem>>
    %dma_wait3A_124 = arith.constant 0 : i32
    %dma_wait3A_125 = arith.constant 0 : i32
    %dma_wait3A_126 = tpu.memref_slice %arg2[%dma_wait3A_124, %dma_wait3A_125] : memref<10000x128xf32, #tpu.memory_space<hbm>> -> memref<10000x128xf32, #tpu.memory_space<hbm>>
    tpu.wait_indirect_dma semaphore(%arg14 : memref<!tpu.dma_semaphore, #tpu.memory_space<semaphore_mem>>) src(%dma_wait3A_126 : memref<10000x128xf32, #tpu.memory_space<hbm>>) dst(%arg10 : memref<80x128xf32, #tpu.memory_space<vmem>>)
    %dma_start3A_127 = arith.constant 9920 : i32
    %dma_start3A_128 = tpu.memref_slice %arg8[%dma_start3A_127] : memref<10000xi32, #tpu.memory_space<vmem>> -> memref<80xi32, #tpu.memory_space<vmem>>
    %dma_start3A_129 = arith.constant 0 : i32
    %dma_start3A_130 = arith.constant 0 : i32
    %dma_start3A_131 = tpu.memref_slice %arg12[%dma_start3A_129, %dma_start3A_130] : memref<10000x128xf32, #tpu.memory_space<vmem_shared>> -> memref<10000x128xf32, #tpu.memory_space<vmem_shared>>
    tpu.enqueue_indirect_dma source(%arg10 : memref<80x128xf32, #tpu.memory_space<vmem>>) target(%dma_start3A_131 : memref<10000x128xf32, #tpu.memory_space<vmem_shared>>) offsets(%dma_start3A_128 : memref<80xi32, #tpu.memory_space<vmem>>) semaphore(%arg14 : memref<!tpu.dma_semaphore, #tpu.memory_space<semaphore_mem>>) {add = true}
    %dma_wait3A_132 = arith.constant 9840 : i32
    %dma_wait3A_133 = tpu.memref_slice %arg8[%dma_wait3A_132] : memref<10000xi32, #tpu.memory_space<vmem>> -> memref<80xi32, #tpu.memory_space<vmem>>
    %dma_wait3A_134 = arith.constant 0 : i32
    %dma_wait3A_135 = arith.constant 0 : i32
    %dma_wait3A_136 = tpu.memref_slice %arg12[%dma_wait3A_134, %dma_wait3A_135] : memref<10000x128xf32, #tpu.memory_space<vmem_shared>> -> memref<10000x128xf32, #tpu.memory_space<vmem_shared>>
    tpu.wait_indirect_dma semaphore(%arg13 : memref<!tpu.dma_semaphore, #tpu.memory_space<semaphore_mem>>) src(%arg9 : memref<80x128xf32, #tpu.memory_space<vmem>>) dst(%dma_wait3A_136 : memref<10000x128xf32, #tpu.memory_space<vmem_shared>>)
    %dma_wait3A_137 = arith.constant 9920 : i32
    %dma_wait3A_138 = tpu.memref_slice %arg8[%dma_wait3A_137] : memref<10000xi32, #tpu.memory_space<vmem>> -> memref<80xi32, #tpu.memory_space<vmem>>
    %dma_wait3A_139 = arith.constant 0 : i32
    %dma_wait3A_140 = arith.constant 0 : i32
    %dma_wait3A_141 = tpu.memref_slice %arg12[%dma_wait3A_139, %dma_wait3A_140] : memref<10000x128xf32, #tpu.memory_space<vmem_shared>> -> memref<10000x128xf32, #tpu.memory_space<vmem_shared>>
    tpu.wait_indirect_dma semaphore(%arg14 : memref<!tpu.dma_semaphore, #tpu.memory_space<semaphore_mem>>) src(%arg10 : memref<80x128xf32, #tpu.memory_space<vmem>>) dst(%dma_wait3A_141 : memref<10000x128xf32, #tpu.memory_space<vmem_shared>>)
    %barrier3A_142 = arith.constant 0 : index
    tpu.barrier barrier_id(%barrier3A_142)
    "tpu.region"() ({
      %run_scoped3A = tpu.sem_alloc : memref<!tpu.dma_semaphore, #tpu.memory_space<semaphore_mem>>
      %dma_start3A_148 = arith.constant 0 : i32
      %dma_start3A_149 = tpu.memref_slice %arg6[%arg0, %mul3A_4, %dma_start3A_148] : memref<2x10000x128xf32, #tpu.memory_space<hbm>> -> memref<1x624x128xf32, #tpu.memory_space<hbm>>
      %dma_start3A_150 = tpu.memref_squeeze %dma_start3A_149 : memref<1x624x128xf32, #tpu.memory_space<hbm>> -> memref<624x128xf32, #tpu.memory_space<hbm>>
      %dma_start3A_151 = arith.constant 0 : i32
      %dma_start3A_152 = tpu.memref_slice %arg12[%mul3A_4, %dma_start3A_151] : memref<10000x128xf32, #tpu.memory_space<vmem_shared>> -> memref<624x128xf32, #tpu.memory_space<vmem_shared>>
      tpu.enqueue_dma source(%dma_start3A_152 : memref<624x128xf32, #tpu.memory_space<vmem_shared>>) target(%dma_start3A_150 : memref<624x128xf32, #tpu.memory_space<hbm>>) target_semaphore(%run_scoped3A : memref<!tpu.dma_semaphore, #tpu.memory_space<semaphore_mem>>)
      %dma_wait3A_153 = arith.constant 0 : i32
      %dma_wait3A_154 = tpu.memref_slice %arg6[%arg0, %mul3A_4, %dma_wait3A_153] : memref<2x10000x128xf32, #tpu.memory_space<hbm>> -> memref<1x624x128xf32, #tpu.memory_space<hbm>>
      %dma_wait3A_155 = tpu.memref_squeeze %dma_wait3A_154 : memref<1x624x128xf32, #tpu.memory_space<hbm>> -> memref<624x128xf32, #tpu.memory_space<hbm>>
      %dma_wait3A_156 = arith.constant 0 : i32
      %dma_wait3A_157 = tpu.memref_slice %arg12[%mul3A_4, %dma_wait3A_156] : memref<10000x128xf32, #tpu.memory_space<vmem_shared>> -> memref<624x128xf32, #tpu.memory_space<vmem_shared>>
      tpu.wait_dma2 semaphore(%run_scoped3A : memref<!tpu.dma_semaphore, #tpu.memory_space<semaphore_mem>>) src(%dma_wait3A_157 : memref<624x128xf32, #tpu.memory_space<vmem_shared>>) dst(%dma_wait3A_155 : memref<624x128xf32, #tpu.memory_space<hbm>>)
      tpu.yield
    }) : () -> ()
    %eq3A_143 = arith.constant 15 : i32
    %eq3A_144 = arith.cmpi eq, %arg1, %eq3A_143 : i32
    %convert_element_type3A_145 = arith.extui %eq3A_144 : i1 to i32
    %cond3A_146 = arith.constant 0 : i32
    %cond3A_147 = arith.cmpi ne, %convert_element_type3A_145, %cond3A_146 : i32
    scf.if %cond3A_147 {
      "tpu.region"() ({
        %run_scoped3A = tpu.sem_alloc : memref<!tpu.dma_semaphore, #tpu.memory_space<semaphore_mem>>
        %dma_start3A_148 = arith.constant 9984 : i32
        %dma_start3A_149 = arith.constant 0 : i32
        %dma_start3A_150 = tpu.memref_slice %arg6[%arg0, %dma_start3A_148, %dma_start3A_149] : memref<2x10000x128xf32, #tpu.memory_space<hbm>> -> memref<1x16x128xf32, #tpu.memory_space<hbm>>
        %dma_start3A_151 = tpu.memref_squeeze %dma_start3A_150 : memref<1x16x128xf32, #tpu.memory_space<hbm>> -> memref<16x128xf32, #tpu.memory_space<hbm>>
        %dma_start3A_152 = arith.constant 9984 : i32
        %dma_start3A_153 = arith.constant 0 : i32
        %dma_start3A_154 = tpu.memref_slice %arg12[%dma_start3A_152, %dma_start3A_153] : memref<10000x128xf32, #tpu.memory_space<vmem_shared>> -> memref<16x128xf32, #tpu.memory_space<vmem_shared>>
        tpu.enqueue_dma source(%dma_start3A_154 : memref<16x128xf32, #tpu.memory_space<vmem_shared>>) target(%dma_start3A_151 : memref<16x128xf32, #tpu.memory_space<hbm>>) target_semaphore(%run_scoped3A : memref<!tpu.dma_semaphore, #tpu.memory_space<semaphore_mem>>)
        %dma_wait3A_155 = arith.constant 9984 : i32
        %dma_wait3A_156 = arith.constant 0 : i32
        %dma_wait3A_157 = tpu.memref_slice %arg6[%arg0, %dma_wait3A_155, %dma_wait3A_156] : memref<2x10000x128xf32, #tpu.memory_space<hbm>> -> memref<1x16x128xf32, #tpu.memory_space<hbm>>
        %dma_wait3A_158 = tpu.memref_squeeze %dma_wait3A_157 : memref<1x16x128xf32, #tpu.memory_space<hbm>> -> memref<16x128xf32, #tpu.memory_space<hbm>>
        %dma_wait3A_159 = arith.constant 9984 : i32
        %dma_wait3A_160 = arith.constant 0 : i32
        %dma_wait3A_161 = tpu.memref_slice %arg12[%dma_wait3A_159, %dma_wait3A_160] : memref<10000x128xf32, #tpu.memory_space<vmem_shared>> -> memref<16x128xf32, #tpu.memory_space<vmem_shared>>
        tpu.wait_dma2 semaphore(%run_scoped3A : memref<!tpu.dma_semaphore, #tpu.memory_space<semaphore_mem>>) src(%dma_wait3A_161 : memref<16x128xf32, #tpu.memory_space<vmem_shared>>) dst(%dma_wait3A_158 : memref<16x128xf32, #tpu.memory_space<hbm>>)
        tpu.yield
      }) : () -> ()
    } else {
    }
    return
  }
}

module attributes {stable_mosaic.version = 14 : i64} {
  func.func @_mlp_body(%arg0: memref<2x10000x128xf32, #tpu.memory_space<vmem>>, %arg1: memref<128x128xf32, #tpu.memory_space<vmem>>, %arg2: memref<1x128xf32, #tpu.memory_space<vmem>>, %arg3: memref<1x128xf32, #tpu.memory_space<vmem>>, %arg4: memref<1x128xf32, #tpu.memory_space<vmem>>, %arg5: memref<1x1xf32, #tpu.memory_space<vmem>>, %arg6: memref<128x128xf32, #tpu.memory_space<vmem>>, %arg7: memref<1x128xf32, #tpu.memory_space<vmem>>, %arg8: memref<1x128xf32, #tpu.memory_space<vmem>>, %arg9: memref<1x128xf32, #tpu.memory_space<vmem>>, %arg10: memref<1x1xf32, #tpu.memory_space<vmem>>, %arg11: memref<10000x128xf32, #tpu.memory_space<vmem>>) attributes {dimension_semantics = [], scalar_prefetch = 0 : i64, scratch_operands = 0 : i64, tpu.core_type = #tpu.core_type<tc>} {
    %get3A = arith.constant 0 : index
    %get3A_0 = arith.constant 0 : index
    %get3A_1 = arith.constant 0 : index
    %get3A_2 = vector.load %arg0[%get3A, %get3A_0, %get3A_1] : memref<2x10000x128xf32, #tpu.memory_space<vmem>>, vector<1x10000x128xf32>
    %get3A_3 = vector.shape_cast %get3A_2 : vector<1x10000x128xf32> to vector<10000x128xf32>
    %get3A_4 = arith.constant 1 : index
    %get3A_5 = arith.constant 0 : index
    %get3A_6 = arith.constant 0 : index
    %get3A_7 = vector.load %arg0[%get3A_4, %get3A_5, %get3A_6] : memref<2x10000x128xf32, #tpu.memory_space<vmem>>, vector<1x10000x128xf32>
    %get3A_8 = vector.shape_cast %get3A_7 : vector<1x10000x128xf32> to vector<10000x128xf32>
    %add3A = arith.addf %get3A_3, %get3A_8 : vector<10000x128xf32>
    %get3A_9 = arith.constant 0 : index
    %get3A_10 = arith.constant 0 : index
    %get3A_11 = vector.load %arg1[%get3A_9, %get3A_10] : memref<128x128xf32, #tpu.memory_space<vmem>>, vector<128x128xf32>
    %dot_general3A = arith.constant dense<0.000000e+00> : vector<10000x128xf32>
    %dot_general3A_12 = tpu.matmul %add3A, %get3A_11, %dot_general3A {dimension_numbers = #tpu.dot_dimension_numbers<[1], [0], [0], [1], [0, 0, 1, 1], [], []>, transpose_lhs_hint = false} : vector<10000x128xf32>, vector<128x128xf32>, vector<10000x128xf32> -> vector<10000x128xf32>
    %get3A_13 = arith.constant 0 : index
    %get3A_14 = arith.constant 0 : index
    %get3A_15 = vector.load %arg2[%get3A_13, %get3A_14] : memref<1x128xf32, #tpu.memory_space<vmem>>, vector<1x128xf32>
    %add3A_16 = vector.broadcast %get3A_15 : vector<1x128xf32> to vector<10000x128xf32>
    %add3A_17 = arith.addf %dot_general3A_12, %add3A_16 : vector<10000x128xf32>
    %reduce_sum3A = arith.constant dense<0.000000e+00> : vector<128xf32>
    %reduce_sum3A_18 = vector.multi_reduction <add>, %add3A_17, %reduce_sum3A [0] : vector<10000x128xf32> to vector<128xf32>
    %broadcast_in_dim3A = vector.shape_cast %reduce_sum3A_18 : vector<128xf32> to vector<1x128xf32>
    %div3A = arith.constant 1.000000e+04 : f32
    %div3A_19 = vector.broadcast %div3A : f32 to vector<1x128xf32>
    %div3A_20 = arith.divf %broadcast_in_dim3A, %div3A_19 : vector<1x128xf32>
    %sub3A = vector.broadcast %div3A_20 : vector<1x128xf32> to vector<10000x128xf32>
    %sub3A_21 = arith.subf %add3A_17, %sub3A : vector<10000x128xf32>
    %integer_pow3A = arith.mulf %sub3A_21, %sub3A_21 : vector<10000x128xf32>
    %reduce_sum3A_22 = arith.constant dense<0.000000e+00> : vector<128xf32>
    %reduce_sum3A_23 = vector.multi_reduction <add>, %integer_pow3A, %reduce_sum3A_22 [0] : vector<10000x128xf32> to vector<128xf32>
    %broadcast_in_dim3A_24 = vector.shape_cast %reduce_sum3A_23 : vector<128xf32> to vector<1x128xf32>
    %div3A_25 = arith.constant 1.000000e+04 : f32
    %div3A_26 = vector.broadcast %div3A_25 : f32 to vector<1x128xf32>
    %div3A_27 = arith.divf %broadcast_in_dim3A_24, %div3A_26 : vector<1x128xf32>
    %sub3A_28 = vector.broadcast %div3A_20 : vector<1x128xf32> to vector<10000x128xf32>
    %sub3A_29 = arith.subf %add3A_17, %sub3A_28 : vector<10000x128xf32>
    %add3A_30 = arith.constant 9.99999974E-6 : f32
    %add3A_31 = vector.broadcast %add3A_30 : f32 to vector<1x128xf32>
    %add3A_32 = arith.addf %div3A_27, %add3A_31 : vector<1x128xf32>
    %rsqrt3A = math.rsqrt %add3A_32 : vector<1x128xf32>
    %mul3A = vector.broadcast %rsqrt3A : vector<1x128xf32> to vector<10000x128xf32>
    %mul3A_33 = arith.mulf %sub3A_29, %mul3A : vector<10000x128xf32>
    %get3A_34 = arith.constant 0 : index
    %get3A_35 = arith.constant 0 : index
    %get3A_36 = vector.load %arg3[%get3A_34, %get3A_35] : memref<1x128xf32, #tpu.memory_space<vmem>>, vector<1x128xf32>
    %mul3A_37 = vector.broadcast %get3A_36 : vector<1x128xf32> to vector<10000x128xf32>
    %mul3A_38 = arith.mulf %mul3A_33, %mul3A_37 : vector<10000x128xf32>
    %get3A_39 = arith.constant 0 : index
    %get3A_40 = arith.constant 0 : index
    %get3A_41 = vector.load %arg4[%get3A_39, %get3A_40] : memref<1x128xf32, #tpu.memory_space<vmem>>, vector<1x128xf32>
    %add3A_42 = vector.broadcast %get3A_41 : vector<1x128xf32> to vector<10000x128xf32>
    %add3A_43 = arith.addf %mul3A_38, %add3A_42 : vector<10000x128xf32>
    %ge3A = arith.constant 0.000000e+00 : f32
    %ge3A_44 = vector.broadcast %ge3A : f32 to vector<10000x128xf32>
    %ge3A_45 = arith.cmpf oge, %add3A_43, %ge3A_44 : vector<10000x128xf32>
    %get3A_46 = arith.constant 0 : index
    %get3A_47 = arith.constant 0 : index
    %get3A_48 = vector.load %arg5[%get3A_46, %get3A_47] : memref<1x1xf32, #tpu.memory_space<vmem>>, vector<1x1xf32>
    %get3A_49 = vector.extract %get3A_48[0, 0] : f32 from vector<1x1xf32>
    %mul3A_50 = vector.broadcast %get3A_49 : f32 to vector<10000x128xf32>
    %mul3A_51 = arith.mulf %mul3A_50, %add3A_43 : vector<10000x128xf32>
    %select_n3A = arith.select %ge3A_45, %add3A_43, %mul3A_51 : vector<10000x128xi1>, vector<10000x128xf32>
    %get3A_52 = arith.constant 0 : index
    %get3A_53 = arith.constant 0 : index
    %get3A_54 = vector.load %arg6[%get3A_52, %get3A_53] : memref<128x128xf32, #tpu.memory_space<vmem>>, vector<128x128xf32>
    %dot_general3A_55 = arith.constant dense<0.000000e+00> : vector<10000x128xf32>
    %dot_general3A_56 = tpu.matmul %select_n3A, %get3A_54, %dot_general3A_55 {dimension_numbers = #tpu.dot_dimension_numbers<[1], [0], [0], [1], [0, 0, 1, 1], [], []>, transpose_lhs_hint = false} : vector<10000x128xf32>, vector<128x128xf32>, vector<10000x128xf32> -> vector<10000x128xf32>
    %get3A_57 = arith.constant 0 : index
    %get3A_58 = arith.constant 0 : index
    %get3A_59 = vector.load %arg7[%get3A_57, %get3A_58] : memref<1x128xf32, #tpu.memory_space<vmem>>, vector<1x128xf32>
    %add3A_60 = vector.broadcast %get3A_59 : vector<1x128xf32> to vector<10000x128xf32>
    %add3A_61 = arith.addf %dot_general3A_56, %add3A_60 : vector<10000x128xf32>
    %reduce_sum3A_62 = arith.constant dense<0.000000e+00> : vector<10000xf32>
    %reduce_sum3A_63 = vector.multi_reduction <add>, %add3A_61, %reduce_sum3A_62 [1] : vector<10000x128xf32> to vector<10000xf32>
    %broadcast_in_dim3A_64 = vector.shape_cast %reduce_sum3A_63 : vector<10000xf32> to vector<10000x1xf32>
    %div3A_65 = arith.constant 1.280000e+02 : f32
    %div3A_66 = vector.broadcast %div3A_65 : f32 to vector<10000x1xf32>
    %div3A_67 = arith.divf %broadcast_in_dim3A_64, %div3A_66 : vector<10000x1xf32>
    %sub3A_68 = vector.broadcast %div3A_67 : vector<10000x1xf32> to vector<10000x128xf32>
    %sub3A_69 = arith.subf %add3A_61, %sub3A_68 : vector<10000x128xf32>
    %integer_pow3A_70 = arith.mulf %sub3A_69, %sub3A_69 : vector<10000x128xf32>
    %reduce_sum3A_71 = arith.constant dense<0.000000e+00> : vector<10000xf32>
    %reduce_sum3A_72 = vector.multi_reduction <add>, %integer_pow3A_70, %reduce_sum3A_71 [1] : vector<10000x128xf32> to vector<10000xf32>
    %broadcast_in_dim3A_73 = vector.shape_cast %reduce_sum3A_72 : vector<10000xf32> to vector<10000x1xf32>
    %div3A_74 = arith.constant 1.280000e+02 : f32
    %div3A_75 = vector.broadcast %div3A_74 : f32 to vector<10000x1xf32>
    %div3A_76 = arith.divf %broadcast_in_dim3A_73, %div3A_75 : vector<10000x1xf32>
    %sub3A_77 = vector.broadcast %div3A_67 : vector<10000x1xf32> to vector<10000x128xf32>
    %sub3A_78 = arith.subf %add3A_61, %sub3A_77 : vector<10000x128xf32>
    %add3A_79 = arith.constant 9.99999974E-6 : f32
    %add3A_80 = vector.broadcast %add3A_79 : f32 to vector<10000x1xf32>
    %add3A_81 = arith.addf %div3A_76, %add3A_80 : vector<10000x1xf32>
    %rsqrt3A_82 = math.rsqrt %add3A_81 : vector<10000x1xf32>
    %mul3A_83 = vector.broadcast %rsqrt3A_82 : vector<10000x1xf32> to vector<10000x128xf32>
    %mul3A_84 = arith.mulf %sub3A_78, %mul3A_83 : vector<10000x128xf32>
    %get3A_85 = arith.constant 0 : index
    %get3A_86 = arith.constant 0 : index
    %get3A_87 = vector.load %arg8[%get3A_85, %get3A_86] : memref<1x128xf32, #tpu.memory_space<vmem>>, vector<1x128xf32>
    %mul3A_88 = vector.broadcast %get3A_87 : vector<1x128xf32> to vector<10000x128xf32>
    %mul3A_89 = arith.mulf %mul3A_84, %mul3A_88 : vector<10000x128xf32>
    %get3A_90 = arith.constant 0 : index
    %get3A_91 = arith.constant 0 : index
    %get3A_92 = vector.load %arg9[%get3A_90, %get3A_91] : memref<1x128xf32, #tpu.memory_space<vmem>>, vector<1x128xf32>
    %add3A_93 = vector.broadcast %get3A_92 : vector<1x128xf32> to vector<10000x128xf32>
    %add3A_94 = arith.addf %mul3A_89, %add3A_93 : vector<10000x128xf32>
    %ge3A_95 = arith.constant 0.000000e+00 : f32
    %ge3A_96 = vector.broadcast %ge3A_95 : f32 to vector<10000x128xf32>
    %ge3A_97 = arith.cmpf oge, %add3A_94, %ge3A_96 : vector<10000x128xf32>
    %get3A_98 = arith.constant 0 : index
    %get3A_99 = arith.constant 0 : index
    %get3A_100 = vector.load %arg10[%get3A_98, %get3A_99] : memref<1x1xf32, #tpu.memory_space<vmem>>, vector<1x1xf32>
    %get3A_101 = vector.extract %get3A_100[0, 0] : f32 from vector<1x1xf32>
    %mul3A_102 = vector.broadcast %get3A_101 : f32 to vector<10000x128xf32>
    %mul3A_103 = arith.mulf %mul3A_102, %add3A_94 : vector<10000x128xf32>
    %select_n3A_104 = arith.select %ge3A_97, %add3A_94, %mul3A_103 : vector<10000x128xi1>, vector<10000x128xf32>
    %swap3A = arith.constant 0 : index
    %swap3A_105 = arith.constant 0 : index
    %swap3A_106 = vector.load %arg11[%swap3A, %swap3A_105] : memref<10000x128xf32, #tpu.memory_space<vmem>>, vector<10000x128xf32>
    tpu.vector_store %arg11[%swap3A, %swap3A_105], %select_n3A_104 {strides = array<i32>} : memref<10000x128xf32, #tpu.memory_space<vmem>>, vector<10000x128xf32>,
    return
  }
}

module attributes {stable_mosaic.version = 14 : i64} {
  func.func @_mlp_body(%arg0: memref<2x10000x128xf32, #tpu.memory_space<vmem>>, %arg1: memref<128x128xf32, #tpu.memory_space<vmem>>, %arg2: memref<1x128xf32, #tpu.memory_space<vmem>>, %arg3: memref<1x128xf32, #tpu.memory_space<vmem>>, %arg4: memref<1x128xf32, #tpu.memory_space<vmem>>, %arg5: memref<1x1xf32, #tpu.memory_space<vmem>>, %arg6: memref<128x128xf32, #tpu.memory_space<vmem>>, %arg7: memref<1x128xf32, #tpu.memory_space<vmem>>, %arg8: memref<1x128xf32, #tpu.memory_space<vmem>>, %arg9: memref<1x128xf32, #tpu.memory_space<vmem>>, %arg10: memref<1x1xf32, #tpu.memory_space<vmem>>, %arg11: memref<10000x128xf32, #tpu.memory_space<vmem>>) attributes {dimension_semantics = [], scalar_prefetch = 0 : i64, scratch_operands = 0 : i64, tpu.core_type = #tpu.core_type<tc>} {
    %get3A = arith.constant 0 : index
    %get3A_0 = arith.constant 0 : index
    %get3A_1 = arith.constant 0 : index
    %get3A_2 = vector.load %arg0[%get3A, %get3A_0, %get3A_1] : memref<2x10000x128xf32, #tpu.memory_space<vmem>>, vector<1x10000x128xf32>
    %get3A_3 = vector.shape_cast %get3A_2 : vector<1x10000x128xf32> to vector<10000x128xf32>
    %get3A_4 = arith.constant 1 : index
    %get3A_5 = arith.constant 0 : index
    %get3A_6 = arith.constant 0 : index
    %get3A_7 = vector.load %arg0[%get3A_4, %get3A_5, %get3A_6] : memref<2x10000x128xf32, #tpu.memory_space<vmem>>, vector<1x10000x128xf32>
    %get3A_8 = vector.shape_cast %get3A_7 : vector<1x10000x128xf32> to vector<10000x128xf32>
    %add3A = arith.addf %get3A_3, %get3A_8 : vector<10000x128xf32>
    %get3A_9 = arith.constant 0 : index
    %get3A_10 = arith.constant 0 : index
    %get3A_11 = vector.load %arg1[%get3A_9, %get3A_10] : memref<128x128xf32, #tpu.memory_space<vmem>>, vector<128x128xf32>
    %dot_general3A = arith.constant dense<0.000000e+00> : vector<10000x128xf32>
    %dot_general3A_12 = tpu.matmul %add3A, %get3A_11, %dot_general3A {dimension_numbers = #tpu.dot_dimension_numbers<[1], [0], [0], [1], [0, 0, 1, 1], [], []>, transpose_lhs_hint = false} : vector<10000x128xf32>, vector<128x128xf32>, vector<10000x128xf32> -> vector<10000x128xf32>
    %get3A_13 = arith.constant 0 : index
    %get3A_14 = arith.constant 0 : index
    %get3A_15 = vector.load %arg2[%get3A_13, %get3A_14] : memref<1x128xf32, #tpu.memory_space<vmem>>, vector<1x128xf32>
    %add3A_16 = vector.broadcast %get3A_15 : vector<1x128xf32> to vector<10000x128xf32>
    %add3A_17 = arith.addf %dot_general3A_12, %add3A_16 : vector<10000x128xf32>
    %reduce_sum3A = arith.constant dense<0.000000e+00> : vector<128xf32>
    %reduce_sum3A_18 = vector.multi_reduction <add>, %add3A_17, %reduce_sum3A [0] : vector<10000x128xf32> to vector<128xf32>
    %broadcast_in_dim3A = vector.shape_cast %reduce_sum3A_18 : vector<128xf32> to vector<1x128xf32>
    %div3A = arith.constant 1.000000e+04 : f32
    %div3A_19 = vector.broadcast %div3A : f32 to vector<1x128xf32>
    %div3A_20 = arith.divf %broadcast_in_dim3A, %div3A_19 : vector<1x128xf32>
    %sub3A = vector.broadcast %div3A_20 : vector<1x128xf32> to vector<10000x128xf32>
    %sub3A_21 = arith.subf %add3A_17, %sub3A : vector<10000x128xf32>
    %integer_pow3A = arith.mulf %sub3A_21, %sub3A_21 : vector<10000x128xf32>
    %reduce_sum3A_22 = arith.constant dense<0.000000e+00> : vector<128xf32>
    %reduce_sum3A_23 = vector.multi_reduction <add>, %integer_pow3A, %reduce_sum3A_22 [0] : vector<10000x128xf32> to vector<128xf32>
    %broadcast_in_dim3A_24 = vector.shape_cast %reduce_sum3A_23 : vector<128xf32> to vector<1x128xf32>
    %div3A_25 = arith.constant 1.000000e+04 : f32
    %div3A_26 = vector.broadcast %div3A_25 : f32 to vector<1x128xf32>
    %div3A_27 = arith.divf %broadcast_in_dim3A_24, %div3A_26 : vector<1x128xf32>
    %sub3A_28 = vector.broadcast %div3A_20 : vector<1x128xf32> to vector<10000x128xf32>
    %sub3A_29 = arith.subf %add3A_17, %sub3A_28 : vector<10000x128xf32>
    %add3A_30 = arith.constant 9.99999974E-6 : f32
    %add3A_31 = vector.broadcast %add3A_30 : f32 to vector<1x128xf32>
    %add3A_32 = arith.addf %div3A_27, %add3A_31 : vector<1x128xf32>
    %rsqrt3A = math.rsqrt %add3A_32 : vector<1x128xf32>
    %mul3A = vector.broadcast %rsqrt3A : vector<1x128xf32> to vector<10000x128xf32>
    %mul3A_33 = arith.mulf %sub3A_29, %mul3A : vector<10000x128xf32>
    %get3A_34 = arith.constant 0 : index
    %get3A_35 = arith.constant 0 : index
    %get3A_36 = vector.load %arg3[%get3A_34, %get3A_35] : memref<1x128xf32, #tpu.memory_space<vmem>>, vector<1x128xf32>
    %mul3A_37 = vector.broadcast %get3A_36 : vector<1x128xf32> to vector<10000x128xf32>
    %mul3A_38 = arith.mulf %mul3A_33, %mul3A_37 : vector<10000x128xf32>
    %get3A_39 = arith.constant 0 : index
    %get3A_40 = arith.constant 0 : index
    %get3A_41 = vector.load %arg4[%get3A_39, %get3A_40] : memref<1x128xf32, #tpu.memory_space<vmem>>, vector<1x128xf32>
    %add3A_42 = vector.broadcast %get3A_41 : vector<1x128xf32> to vector<10000x128xf32>
    %add3A_43 = arith.addf %mul3A_38, %add3A_42 : vector<10000x128xf32>
    %ge3A = arith.constant 0.000000e+00 : f32
    %ge3A_44 = vector.broadcast %ge3A : f32 to vector<10000x128xf32>
    %ge3A_45 = arith.cmpf oge, %add3A_43, %ge3A_44 : vector<10000x128xf32>
    %get3A_46 = arith.constant 0 : index
    %get3A_47 = arith.constant 0 : index
    %get3A_48 = vector.load %arg5[%get3A_46, %get3A_47] : memref<1x1xf32, #tpu.memory_space<vmem>>, vector<1x1xf32>
    %get3A_49 = vector.extract %get3A_48[0, 0] : f32 from vector<1x1xf32>
    %mul3A_50 = vector.broadcast %get3A_49 : f32 to vector<10000x128xf32>
    %mul3A_51 = arith.mulf %mul3A_50, %add3A_43 : vector<10000x128xf32>
    %select_n3A = arith.select %ge3A_45, %add3A_43, %mul3A_51 : vector<10000x128xi1>, vector<10000x128xf32>
    %get3A_52 = arith.constant 0 : index
    %get3A_53 = arith.constant 0 : index
    %get3A_54 = vector.load %arg6[%get3A_52, %get3A_53] : memref<128x128xf32, #tpu.memory_space<vmem>>, vector<128x128xf32>
    %dot_general3A_55 = arith.constant dense<0.000000e+00> : vector<10000x128xf32>
    %dot_general3A_56 = tpu.matmul %select_n3A, %get3A_54, %dot_general3A_55 {dimension_numbers = #tpu.dot_dimension_numbers<[1], [0], [0], [1], [0, 0, 1, 1], [], []>, transpose_lhs_hint = false} : vector<10000x128xf32>, vector<128x128xf32>, vector<10000x128xf32> -> vector<10000x128xf32>
    %get3A_57 = arith.constant 0 : index
    %get3A_58 = arith.constant 0 : index
    %get3A_59 = vector.load %arg7[%get3A_57, %get3A_58] : memref<1x128xf32, #tpu.memory_space<vmem>>, vector<1x128xf32>
    %add3A_60 = vector.broadcast %get3A_59 : vector<1x128xf32> to vector<10000x128xf32>
    %add3A_61 = arith.addf %dot_general3A_56, %add3A_60 : vector<10000x128xf32>
    %reduce_sum3A_62 = arith.constant dense<0.000000e+00> : vector<10000xf32>
    %reduce_sum3A_63 = vector.multi_reduction <add>, %add3A_61, %reduce_sum3A_62 [1] : vector<10000x128xf32> to vector<10000xf32>
    %broadcast_in_dim3A_64 = vector.shape_cast %reduce_sum3A_63 : vector<10000xf32> to vector<10000x1xf32>
    %div3A_65 = arith.constant 1.280000e+02 : f32
    %div3A_66 = vector.broadcast %div3A_65 : f32 to vector<10000x1xf32>
    %div3A_67 = arith.divf %broadcast_in_dim3A_64, %div3A_66 : vector<10000x1xf32>
    %sub3A_68 = vector.broadcast %div3A_67 : vector<10000x1xf32> to vector<10000x128xf32>
    %sub3A_69 = arith.subf %add3A_61, %sub3A_68 : vector<10000x128xf32>
    %integer_pow3A_70 = arith.mulf %sub3A_69, %sub3A_69 : vector<10000x128xf32>
    %reduce_sum3A_71 = arith.constant dense<0.000000e+00> : vector<10000xf32>
    %reduce_sum3A_72 = vector.multi_reduction <add>, %integer_pow3A_70, %reduce_sum3A_71 [1] : vector<10000x128xf32> to vector<10000xf32>
    %broadcast_in_dim3A_73 = vector.shape_cast %reduce_sum3A_72 : vector<10000xf32> to vector<10000x1xf32>
    %div3A_74 = arith.constant 1.280000e+02 : f32
    %div3A_75 = vector.broadcast %div3A_74 : f32 to vector<10000x1xf32>
    %div3A_76 = arith.divf %broadcast_in_dim3A_73, %div3A_75 : vector<10000x1xf32>
    %sub3A_77 = vector.broadcast %div3A_67 : vector<10000x1xf32> to vector<10000x128xf32>
    %sub3A_78 = arith.subf %add3A_61, %sub3A_77 : vector<10000x128xf32>
    %add3A_79 = arith.constant 9.99999974E-6 : f32
    %add3A_80 = vector.broadcast %add3A_79 : f32 to vector<10000x1xf32>
    %add3A_81 = arith.addf %div3A_76, %add3A_80 : vector<10000x1xf32>
    %rsqrt3A_82 = math.rsqrt %add3A_81 : vector<10000x1xf32>
    %mul3A_83 = vector.broadcast %rsqrt3A_82 : vector<10000x1xf32> to vector<10000x128xf32>
    %mul3A_84 = arith.mulf %sub3A_78, %mul3A_83 : vector<10000x128xf32>
    %get3A_85 = arith.constant 0 : index
    %get3A_86 = arith.constant 0 : index
    %get3A_87 = vector.load %arg8[%get3A_85, %get3A_86] : memref<1x128xf32, #tpu.memory_space<vmem>>, vector<1x128xf32>
    %mul3A_88 = vector.broadcast %get3A_87 : vector<1x128xf32> to vector<10000x128xf32>
    %mul3A_89 = arith.mulf %mul3A_84, %mul3A_88 : vector<10000x128xf32>
    %get3A_90 = arith.constant 0 : index
    %get3A_91 = arith.constant 0 : index
    %get3A_92 = vector.load %arg9[%get3A_90, %get3A_91] : memref<1x128xf32, #tpu.memory_space<vmem>>, vector<1x128xf32>
    %add3A_93 = vector.broadcast %get3A_92 : vector<1x128xf32> to vector<10000x128xf32>
    %add3A_94 = arith.addf %mul3A_89, %add3A_93 : vector<10000x128xf32>
    %ge3A_95 = arith.constant 0.000000e+00 : f32
    %ge3A_96 = vector.broadcast %ge3A_95 : f32 to vector<10000x128xf32>
    %ge3A_97 = arith.cmpf oge, %add3A_94, %ge3A_96 : vector<10000x128xf32>
    %get3A_98 = arith.constant 0 : index
    %get3A_99 = arith.constant 0 : index
    %get3A_100 = vector.load %arg10[%get3A_98, %get3A_99] : memref<1x1xf32, #tpu.memory_space<vmem>>, vector<1x1xf32>
    %get3A_101 = vector.extract %get3A_100[0, 0] : f32 from vector<1x1xf32>
    %mul3A_102 = vector.broadcast %get3A_101 : f32 to vector<10000x128xf32>
    %mul3A_103 = arith.mulf %mul3A_102, %add3A_94 : vector<10000x128xf32>
    %select_n3A_104 = arith.select %ge3A_97, %add3A_94, %mul3A_103 : vector<10000x128xi1>, vector<10000x128xf32>
    %swap3A = arith.constant 0 : index
    %swap3A_105 = arith.constant 0 : index
    %swap3A_106 = vector.load %arg11[%swap3A, %swap3A_105] : memref<10000x128xf32, #tpu.memory_space<vmem>>, vector<10000x128xf32>
    tpu.vector_store %arg11[%swap3A, %swap3A_105], %select_n3A_104 {strides = array<i32>} : memref<10000x128xf32, #tpu.memory_space<vmem>>, vector<10000x128xf32>,
    return
  }
}

</mosaic_0001>

<sc_bundles>
// kernel: kernel.6.cloned.1.call-start
scs
__scs_entry_jumppad:
0x0: {  	(pc) =	sbr.rel $0x88, $3  }
0x1: {  	(tag) =	ssettag $0x0;
	lr =	simm.s32 $0x1  }
0x2: {  	[smem:$0x3F8B] =	sst lr;
	_ =	strace $0xD0000000  }
0x3: {  	_ = 	snop  }
0x4: {  	_ = 	snop  }
0x5: {  	_ = 	snop  }
0x6: {  	_ = 	snop  }
0x7: {  	_ = 	snop  }
__scs_overlays_trampoline_lowered:
0x8: {  	[smem:$0x3F9A] =	sst s0  }
0x9: {  	[smem:$0x3F9B] =	sst s1  }
0xa: {  	[smem:$0x3F9C] =	sst s2  }
0xb: {  	[smem:$0x3F9D] =	sst s3  }
0xc: {  	[smem:$0x3F9E] =	sst s4  }
0xd: {  	[smem:$0x3F9F] =	sst s5  }
0xe: {  	[smem:$0x3FA0] =	sst s6  }
0xf: {  	[smem:$0x3FA1] =	sst s7  }
0x10: {  	[smem:$0x3FA2] =	sst s8  }
0x11: {  	[smem:$0x3FA3] =	sst s9;
	s0 =	simm.s32 @!p0 $0x0  }
0x12: {  	s1 =	sld [smem:$0x3F89];
	s0 =	simm.s32 @p0 $0x1  }
0x13: {  	[smem:$0x3FA4] =	sst s0;
	s0 =	simm.s32 @!p1 $0x0  }
0x14: {  	s2 =	sld [smem:$0x3F88];
	s0 =	simm.s32 @p1 $0x1  }
0x15: {  	[smem:$0x3FA5] =	sst s0;
	s0 =	simm.s32 @!p2 $0x0  }
0x16: {  	s3 =	sld [smem:$0x3FDB];
	s0 =	simm.s32 @p2 $0x1  }
0x17: {  	s4 =	simm.s32 $0x1BF5;
	[smem:$0x3FA7] =	sst s0  }
0x18: {  	s0 =	sld [smem:$0x3F8A];
	_ =	swait.ge [sflag:s4], $0x0  }
0x19: {  	s7 =	sld [smem:$0x3F8B]  }
0x1a: {  	s8 =	sadd.s32 $0xFFFFE003, lr  }
0x1b: {  	s9 =	sadd.s32 $0xFFFFFEF7, lr;
	s5 =	simm.s32 $0xFFFFFFFF;
	p2 =	slt.u32 s8, $0xFFFFF086  }
0x1c: {  	p1 =	slt.u32 s9, $0xF7A;
	s5 =	simm.s32 @!p2 $0x0  }
0x1d: {  	s5 =	simm.s32 @p1 $0x1;
	p0 =	seq.s32 s7, s2  }
0x1e: {  	s7 =	smul.u32 @!p0 $0xF7A, s2;
	p2 =	seq.s32 @!p0 s5, $0x0  }
0x1f: {  	s9 =	smul.u32 $0xF7A, s1;
	s8 =	simm.s32 @!p0 $0x1BF5;
	p2 =	por !p2, p0  }
0x20: {  	[sflag:s8] =	ssyncset.s32 @!p0 $0xFFFFF086;
	s6 =	sadd.s32 @!p0 s3, s7;
	s7 =	simm.s32 @!p0 $0x108  }
0x21: {  	s3 =	sadd.s32 s3, s9;
	s6 =	sadd.s32 @!p0 $0x88, s6;
	s7 =	simm.s32 @p2 $0x1082  }
0x22: {  	[simem:s7], [sflag:s8] =	dma.local @!p0 [hbm:s6], $0xF7A  }
0x23: {  	s9 =	sor.u32 $0xD0000000, s2;
	s6 =	simm.s32 $0x108;
	_ =	swait.ge @!p0 [sflag:s8], $0x0  }
0x24: {  	s3 =	sadd.s32 $0x88, s3;
	s6 =	simm.s32 @!p1 $0x1082;
	[sflag:s4] =	ssyncset.s32 $0xFFFFF086  }
0x25: {  	[simem:s6], [sflag:s4] =	dma.local [hbm:s3], $0xF7A  }
0x26: {  	[smem:$0x3F8B] =	sst s1;
	(tag) =	ssettag s2;
	_ =	strace s9  }
0x27: {  	s1 =	sld [smem:$0x3F9B]  }
0x28: {  	s2 =	sld [smem:$0x3F9C]  }
0x29: {  	s4 =	sld [smem:$0x3F9E]  }
0x2a: {  	p0 =	seq.s32 s5, $0x0;
	s5 =	sld [smem:$0x3F9F]  }
0x2b: {  	s6 =	sld [smem:$0x3FA0]  }
0x2c: {  	s7 =	sld [smem:$0x3FA1]  }
0x2d: {  	s3 =	simm.s32 $0x108;
	s8 =	sld [smem:$0x3FA2]  }
0x2e: {  	s3 =	simm.s32 @!p0 $0x1082;
	s9 =	sld [smem:$0x3FA3]  }
0x2f: {  	lr =	sadd.s32 s0, s3;
	s0 =	sld [smem:$0x3F9A]  }
0x30: {  	s3 =	sld [smem:$0x3F9D]  }
0x31: {  	[smem:$0x3FA6] =	sst s10  }
0x32: {  	s10 =	sld [smem:$0x3FA4];
	_ =	sdelay $0x3  }
0x33: {  	p0 =	seq.s32 s10, $0x1;
	s10 =	sld [smem:$0x3FA6];
	_ =	sdelay $0x3  }
0x34: {  	[smem:$0x3FA6] =	sst s10  }
0x35: {  	s10 =	sld [smem:$0x3FA5];
	_ =	sdelay $0x3  }
0x36: {  	p1 =	seq.s32 s10, $0x1;
	s10 =	sld [smem:$0x3FA6];
	_ =	sdelay $0x3  }
0x37: {  	[smem:$0x3FA6] =	sst s10  }
0x38: {  	s10 =	sld [smem:$0x3FA7]  }
0x39: {  	_ = 	snop;
	(pc) =	sbr.ind lr, $3  }
0x3a: {  	_ = 	snop  }
0x3b: {  	_ = 	snop  }
0x3c: {  	p2 =	seq.s32 s10, $0x1;
	s10 =	sld [smem:$0x3FA6]  }
0x3d: {  	_ =	shalt  }
0x3e: {  	_ =	shalt  }
0x3f: {  	_ =	shalt  }
0x40: {  	_ =	shalt  }
0x41: {  	_ =	shalt  }
0x42: {  	_ =	shalt  }
0x43: {  	_ =	shalt  }
0x44: {  	_ =	shalt  }
0x45: {  	_ =	shalt  }
0x46: {  	_ =	shalt  }
0x47: {  	_ =	shalt  }
0x48: {  	_ =	shalt  }
0x49: {  	_ =	shalt  }
0x4a: {  	_ =	shalt  }
0x4b: {  	_ =	shalt  }
0x4c: {  	_ =	shalt  }
0x4d: {  	_ =	shalt  }
0x4e: {  	_ =	shalt  }
0x4f: {  	_ =	shalt  }
0x50: {  	_ =	shalt  }
0x51: {  	_ =	shalt  }
0x52: {  	_ =	shalt  }
0x53: {  	_ =	shalt  }
0x54: {  	_ =	shalt  }
0x55: {  	_ =	shalt  }
0x56: {  	_ =	shalt  }
0x57: {  	_ =	shalt  }
0x58: {  	_ =	shalt  }
0x59: {  	_ =	shalt  }
0x5a: {  	_ =	shalt  }
0x5b: {  	_ =	shalt  }
0x5c: {  	_ =	shalt  }
0x5d: {  	_ =	shalt  }
0x5e: {  	_ =	shalt  }
0x5f: {  	_ =	shalt  }
0x60: {  	_ =	shalt  }
0x61: {  	_ =	shalt  }
0x62: {  	_ =	shalt  }
0x63: {  	_ =	shalt  }
0x64: {  	_ =	shalt  }
0x65: {  	_ =	shalt  }
0x66: {  	_ =	shalt  }
0x67: {  	_ =	shalt  }
0x68: {  	_ =	shalt  }
0x69: {  	_ =	shalt  }
0x6a: {  	_ =	shalt  }
0x6b: {  	_ =	shalt  }
0x6c: {  	_ =	shalt  }
0x6d: {  	_ =	shalt  }
0x6e: {  	_ =	shalt  }
0x6f: {  	_ =	shalt  }
0x70: {  	_ =	shalt  }
0x71: {  	_ =	shalt  }
0x72: {  	_ =	shalt  }
0x73: {  	_ =	shalt  }
0x74: {  	_ =	shalt  }
0x75: {  	_ =	shalt  }
0x76: {  	_ =	shalt  }
0x77: {  	_ =	shalt  }
0x78: {  	_ =	shalt  }
0x79: {  	_ =	shalt  }
0x7a: {  	_ =	shalt  }
0x7b: {  	_ =	shalt  }
0x7c: {  	_ =	shalt  }
0x7d: {  	_ =	shalt  }
0x7e: {  	_ =	shalt  }
0x7f: {  	_ =	shalt  }
0x80: {  	_ =	shalt  }
0x81: {  	_ =	shalt  }
0x82: {  	_ =	shalt  }
0x83: {  	_ =	shalt  }
0x84: {  	_ =	shalt  }
0x85: {  	_ =	shalt  }
0x86: {  	_ =	shalt  }
0x87: {  	_ =	shalt  }
.Lfunc_end0:
.L_simem_size_0:
called_computation_lowered:
.L_overlay_start_0:
0x88: {  	s2 =	sld [smem:$0x3FD9]  }
0x89: {  	s3 =	sld [smem:$0x3FFE];
	_ =	sdelay $0x1  }
0x8a: {  	s1 =	srdreg.scid  }
0x8b: {  	s0 =	sand.u32 $0x1, s1  }
0x8c: {  	s17 =	sshll.u32 s0, $0xA;
	s2 =	sadd.s32 s3, s2  }
0x8d: {  	s2 =	sadd.s32 s2, s17  }
0x8e: {  	[smem:$0x3FB2] =	sst s2  }
0x8f: {  	_ = 	snop  }
0x90: {  	s2 =	sld [smem:$0x3FC9]  }
0x91: {  	s18 =	sld [smem:$0x3FD0];
	(tm) =	ssettm $0x1  }
0x92: {  	s4 =	sld [smem:$0x3FFB];
	_ =	sdelay $0x3  }
0x93: {  	_ =	strace s4  }
0x94: {  	s4 =	sld [smem:$0x3FFC];
	_ =	sdelay $0x3  }
0x95: {  	_ =	strace s4  }
0x96: {  	s4 =	sld [smem:$0x3FFD];
	_ =	sdelay $0x3  }
0x97: {  	_ =	strace s4  }
0x98: {  	_ =	strace $0x8FFFFFFF  }
0x99: {  	s19 =	sld [smem:$0x3FDB];
	_ =	sdelay $0x1  }
0x9a: {  	s5 =	simm.s32 $_scs_section_size  }
0x9b: {  	s6 =	simm.s32 $_size__tile_overlayer_lowered;
	s7 =	simm.s32 $_tile_overlayer_lowered  }
0x9c: {  	s22 =	simm.s32 $0x1BFF;
	s21 =	sshll.u32 s7, $0x1;
	s4 =	sadd.s32 s5, s19  }
0x9d: {  	s8 =	simm.s32 $0x0;
	s20 =	sshll.u32 s6, $0x1;
	s6 =	sadd.s32 s21, s4  }
0x9e: {  	[timem:s8], [sflag:s22] =	dma.local [hbm:s6], s20  }
0x9f: {  	_ =	swait.ge [sflag:s22], s20  }
0xa0: {  	s5 =	ssub.s32 $0x0, s20;
	[sflag:s22] =	ssyncset.done $0x0  }
0xa1: {  	[sflag:s22] =	ssyncadd.s32 s5;
	_ =	sdelay $0x1  }
0xa2: {  	s23 =	simm.s32 $0x1B8B  }
0xa3: {  	_ =	swait.ge [sflag:s23], $0x1  }
0xa4: {  	[sflag:s23] =	ssyncset.done $0x0  }
0xa5: {  	s25 =	simm.s32 $0x1B8E;
	s24 =	sld [smem:$0x3FFE];
	[sflag:s23] =	ssyncadd.s32 $0xFFFFFFFF  }
0xa6: {  	s26 =	simm.s32 $execute0_lowered;
	[smem:$0x3FD2] =	sst s25  }
0xa7: {  	s6 =	sshll.u32 s26, $0x1;
	_ =	strace $0x80000046;
	[dreg:$0x1] =	wrdreg $0xFFFFFFFF  }
0xa8: {  	s28 =	simm.s32 $_size_execute0_lowered;
	s4 =	sadd.s32 s4, s6;
	[dreg:$0x0] =	wrdreg $0x0  }
0xa9: {  	s6 =	sshll.u32 s28, $0x1;
	[dreg:$0x2] =	wrdreg s4  }
0xaa: {  	[dreg:$0x3] =	wrdreg s6  }
0xab: {  	[dreg:$0x4] =	wrdreg $0xC0  }
0xac: {  	_ =	task [dreg:s8], $0x5FFFF  }
0xad: {  	[dreg:$0x1] =	wrdreg $0xFFFFFFFF  }
0xae: {  	[dreg:$0x0] =	wrdreg $0x60  }
0xaf: {  	[dreg:$0x2] =	wrdreg s2  }
0xb0: {  	[dreg:$0x3] =	wrdreg s24  }
0xb1: {  	[dreg:$0x4] =	wrdreg s18  }
0xb2: {  	[dreg:$0x5] =	wrdreg $0xC7000  }
0xb3: {  	[dreg:$0x6] =	wrdreg $0x9  }
0xb4: {  	_ =	task.clear_ibuf [dreg:s8], $0x7FFFF;
	_ =	strace $0x90000046  }
0xb5: {  	s29 =	simm.s32 $0x9;
	_ =	strace $0x80000048  }
0xb6: {  	_ =	swait.ge [sflag:s29], $0x1  }
0xb7: {  	[sflag:s29] =	ssyncadd.s32 $0xFFFFFFFF  }
0xb8: {  	_ =	strace $0x90000048  }
0xb9: {  	_ =	sfence  }
0xba: {  	s30 =	sld [smem:$0x0];
	_ =	sdelay $0x2  }
0xbb: {  	s31 =	sshll.u32 s1, $0xD;
	s1 =	sshrl.u32 s1, $0x2  }
0xbc: {  	s3 =	sand.u32 $0x4000, s31;
	s1 =	sadd.s32 s1, s30  }
0xbd: {  	s0 =	sor.u32 s3, s0;
	s1 =	sshll.u32 s1, $0x11  }
0xbe: {  	s0 =	sor.u32 s1, s0  }
0xbf: {  	s0 =	sadd.s32 $0x8F2B, s0  }
0xc0: {  	[sflag:s0] =	ssyncadd.remote.s32 $0x1  }
0xc1: {  	_ =	sfence.sel $0xFFFF  }
0xc2: {  	[dreg:$0x0] =	wrdreg $0xFFFFFFFF;
	(pc) =	sbr.abs _section_cstart, $3  }
0xc3: {  	[dreg:$0x1] =	wrdreg $0xFFFFFFFF  }
0xc4: {  	_ =	task.clear_ibuf [dreg:s8], $0x2FFFF;
	_ =	strace $0x9FFFFFFF  }
0xc5: {  	(tm) =	ssettm $0x7FFFFFFF  }
tec
execute0_lowered:
.L_overlay_start_1:
0x0: {  	(tag) =	ssettag $0x1  }
0x1: {  	s0 =	rddreg [dreg:$0x0]  }
0x2: {  	s1 =	rddreg [dreg:$0x1]  }
0x3: {  	s2 =	srdreg.scid;
	s12 =	rddreg [dreg:$0x2]  }
0x4: {  	s3 =	rddreg [dreg:$0x3];
	s26 =	stileid.u32  }
0x5: {  	s4 =	simm.s32 $0x0;
	s21 =	simm.s32 $0x1;
	s22 =	simm.s32 $0x2  }
0x6: {  	s23 =	simm.s32 $0x50;
	s24 =	simm.s32 $0x4F00;
	s25 =	simm.s32 $0x7700  }
0x7: {  	s29 =	simm.s32 $0x9F00;
	s31 =	simm.s32 $0x4;
	s8 =	smul.u32 $0x4E000, s26  }
0x8: {  	s2 =	sand.u32 $0x1, s2;
	[smem:$0x7FF] =	sst s4;
	s10 =	smul.u32 $0x2700, s26  }
0x9: {  	p2 =	seq.s32 s26, $0xF;
	s14 =	smul.u32 $0x13800, s26;
	s11 =	sadd.s32 $0x27000, s0  }
0xa: {  	p4 =	sne.s32 s26, $0xF;
	s5 =	sshll.u32 s2, $0x4;
	s6 =	ssub.s32 $0x2, s2  }
0xb: {  	_ =	strace $0x80000047;
	p1 =	seq.s32 s2, $0x0;
	s13 =	smul.u32 $0x138800, s2  }
0xc: {  	p0 =	seq.s32 s2, $0x1;
	p3 =	sne.s32 s2, $0x0;
	s5 =	sor.u32 s26, s5  }
0xd: {  	s7 =	sshrl.u32 s6, $0x1;
	s30 =	sshrl.u32 s8, $0x2;
	s8 =	sadd.s32 s0, s10  }
0xe: {  	p1 =	por !p2, !p1;
	p2 =	por !p2, !p0;
	s2 =	sshll.u32 @p0 s26, $0x6  }
0xf: {  	s5 =	smul.u32 $0x4E2, s5;
	s15 =	ssub.s32 s6, s7;
	s7 =	sadd.s32 s30, s3  }
0x10: {  	p1 =	por !p1, !p1;
	s14 =	sadd.s32 s14, s13;
	p2 =	por !p2, !p2  }
0x11: {  	s16 =	sshrl.u32 s13, $0x3;
	s19 =	sor.u32 @p0 $0x1C03, s2;
	s14 =	sshrl.u32 s14, $0x3  }
0x12: {  	s15 =	smax.u32 s15, $0x1;
	s18 =	sshrl.u32 @!p3 s7, $0x3;
	s9 =	sadd.s32 s5, s1  }
0x13: {  	s20 =	sshrl.u32 @p0 s7, $0x3;
	s1 =	sadd.s32 $0x16200, s1;
	s5 =	sadd.s32 $0xC400, s9  }
0x14: {  	s6 =	sadd.s32 $0x2600, s9;
	s9 =	sadd.s32 s12, s10;
	s10 =	sadd.s32 $0x138000, s3  }
0x15: {  	s12 =	sadd.s32 $0x27000, s12;
	s13 =	sadd.s32 s1, s14;
	s1 =	sadd.s32 s1, s16  }
0x16: {  	s16 =	simm.s32 $0x2780;
	s14 =	sadd.s32 $0x27000, s1;
	s1 =	sshll.u32 @!p3 s26, $0x6  }
0x17: {  	s26 =	simm.s32 $0x3;
	s17 =	sor.u32 @!p3 $0x1C03, s1;
	s1 =	simm.s32 $0x0  }
.LBB2_1:
0x18: {  	[tilespmem:s4], [sflag:$0x1] =	stream.linear.gather [hbm4b:s5+s4], $0x2710, $0x38;
	[tilespmem:$0x1FF80] =	vst v63  }
0x19: {  	_ = 	snop  }
0x1a: {  	[tilespmem:s16], [sflag:$0x2] =	stream.linear.gather [hbm4b:s6+s4], $0x2710, $0x38;
	[tilespmem:$0x1FF80] =	vst v63  }
0x1b: {  	[spmem:s18], [sflag:s17] =	dma.local @!p3 [hbm:s8], $0x2700  }
0x1c: {  	[spmem:s20], [sflag:s19] =	dma.local @p0 [hbm:s9], $0x2700  }
0x1d: {  	_ =	swait.ge [sflag:s21], $0x2710  }
0x1e: {  	[sflag:s21] =	ssyncset.done $0x0  }
0x1f: {  	[sflag:s21] =	ssyncadd.s32 $0xFFFFD8F0  }
0x20: {  	_ =	swait.ge [sflag:s22], $0x2710  }
0x21: {  	[sflag:s22] =	ssyncset.done $0x0  }
0x22: {  	[sflag:s22] =	ssyncadd.s32 $0xFFFFD8F0  }
0x23: {  	[tilespmem:s24], [sflag:$0x1] =	stream.indirect.gather [hbm4b:s0+s23], $0x80, s4, s23, $0xb8;
	[tilespmem:$0x1FF80] =	vst v63  }
0x24: {  	_ = 	snop  }
0x25: {  	[tilespmem:s25], [sflag:$0x2] =	stream.indirect.gather [hbm4b:s0+s23], $0x80, s23, s23, $0xb8;
	[tilespmem:$0x1FF80] =	vst v63  }
0x26: {  	_ =	swait.ge [sflag:s26], $0x2700  }
0x27: {  	[sflag:s26] =	ssyncset.done $0x0  }
0x28: {  	s2 =	sshrl.u32 @p1 s10, $0x3;
	s28 =	simm.s32 @p1 $0x1FC4;
	[sflag:s26] =	ssyncadd.s32 $0xFFFFD900  }
0x29: {  	[spmem:s2], [sflag:s28] =	dma.local @p1 [hbm:s11], $0x100  }
0x2a: {  	s2 =	simm.s32 @p1 $0x4  }
0x2b: {  	_ =	swait.ge @p1 [sflag:s2], $0x100  }
0x2c: {  	[sflag:s2] =	ssyncset.done @p1 $0x0  }
0x2d: {  	s28 =	simm.s32 @p2 $0x1FC4;
	[sflag:s2] =	ssyncadd.s32 @p1 $0xFFFFFF00;
	s2 =	sshrl.u32 @p2 s10, $0x3  }
0x2e: {  	[spmem:s2], [sflag:s28] =	dma.local @p2 [hbm:s12], $0x100  }
0x2f: {  	s2 =	simm.s32 @p2 $0x4  }
0x30: {  	_ =	swait.ge @p2 [sflag:s2], $0x100  }
0x31: {  	[sflag:s2] =	ssyncset.done @p2 $0x0  }
0x32: {  	[sflag:s2] =	ssyncadd.s32 @p2 $0xFFFFFF00  }
0x33: {  	[bflag:$0x0] =	sbarrier.arrive $0xFFFF  }
0x34: {  	_ =	swait.ge [sflag:s21], $0x2800  }
0x35: {  	[sflag:s21] =	ssyncset.done $0x0  }
0x36: {  	[sflag:s21] =	ssyncadd.s32 $0xFFFFD800  }
0x37: {  	[spmem:s3] =	stream.indirect.scatter.add.f32 [tilespmem:s24], [sflag:$0x1], $0x80, s16, s23, $0xb8;
	[tilespmem:$0x1FF80] =	vst v63  }
0x38: {  	s30 =	simm.s32 $0xA0  }
0x39: {  	[tilespmem:s29], [sflag:$0x3] =	stream.indirect.gather [hbm4b:s0+s23], $0x80, s30, s23, $0xb8;
	[tilespmem:$0x1FF80] =	vst v63  }
0x3a: {  	_ =	swait.ge [sflag:s21], $0x2800  }
0x3b: {  	[sflag:s21] =	ssyncset.done $0x0  }
0x3c: {  	s30 =	simm.s32 $0xF0;
	[sflag:s21] =	ssyncadd.s32 $0xFFFFD800  }
0x3d: {  	[tilespmem:s24], [sflag:$0x1] =	stream.indirect.gather [hbm4b:s0+s23], $0x80, s30, s23, $0xb8;
	[tilespmem:$0x1FF80] =	vst v63  }
0x3e: {  	_ =	swait.ge [sflag:s22], $0x2800  }
0x3f: {  	[sflag:s22] =	ssyncset.done $0x0  }
0x40: {  	s30 =	simm.s32 $0x27D0;
	[sflag:s22] =	ssyncadd.s32 $0xFFFFD800  }
0x41: {  	[spmem:s3] =	stream.indirect.scatter.add.f32 [tilespmem:s25], [sflag:$0x2], $0x80, s30, s23, $0xb8;
	[tilespmem:$0x1FF80] =	vst v63  }
0x42: {  	_ =	swait.ge [sflag:s22], $0x2800  }
0x43: {  	[sflag:s22] =	ssyncset.done $0x0  }
0x44: {  	s30 =	simm.s32 $0x140;
	[sflag:s22] =	ssyncadd.s32 $0xFFFFD800  }
0x45: {  	[tilespmem:s25], [sflag:$0x2] =	stream.indirect.gather [hbm4b:s0+s23], $0x80, s30, s23, $0xb8;
	[tilespmem:$0x1FF80] =	vst v63  }
0x46: {  	_ =	swait.ge [sflag:s26], $0x2800  }
0x47: {  	[sflag:s26] =	ssyncset.done $0x0  }
0x48: {  	s30 =	simm.s32 $0x2820;
	[sflag:s26] =	ssyncadd.s32 $0xFFFFD800  }
0x49: {  	[spmem:s3] =	stream.indirect.scatter.add.f32 [tilespmem:s29], [sflag:$0x3], $0x80, s30, s23, $0xb8;
	[tilespmem:$0x1FF80] =	vst v63  }
0x4a: {  	_ =	swait.ge [sflag:s26], $0x2800  }
0x4b: {  	[sflag:s26] =	ssyncset.done $0x0  }
0x4c: {  	s30 =	simm.s32 $0x190;
	[sflag:s26] =	ssyncadd.s32 $0xFFFFD800  }
0x4d: {  	[tilespmem:s29], [sflag:$0x3] =	stream.indirect.gather [hbm4b:s0+s23], $0x80, s30, s23, $0xb8;
	[tilespmem:$0x1FF80] =	vst v63  }
0x4e: {  	_ =	swait.ge [sflag:s21], $0x2800  }
0x4f: {  	[sflag:s21] =	ssyncset.done $0x0  }
0x50: {  	s30 =	simm.s32 $0x2870;
	[sflag:s21] =	ssyncadd.s32 $0xFFFFD800  }
0x51: {  	[spmem:s3] =	stream.indirect.scatter.add.f32 [tilespmem:s24], [sflag:$0x1], $0x80, s30, s23, $0xb8;
	[tilespmem:$0x1FF80] =	vst v63  }
0x52: {  	_ =	swait.ge [sflag:s21], $0x2800  }
0x53: {  	[sflag:s21] =	ssyncset.done $0x0  }
0x54: {  	s30 =	simm.s32 $0x1E0;
	[sflag:s21] =	ssyncadd.s32 $0xFFFFD800  }
0x55: {  	[tilespmem:s24], [sflag:$0x1] =	stream.indirect.gather [hbm4b:s0+s23], $0x80, s30, s23, $0xb8;
	[tilespmem:$0x1FF80] =	vst v63  }
0x56: {  	_ =	swait.ge [sflag:s22], $0x2800  }
0x57: {  	[sflag:s22] =	ssyncset.done $0x0  }
0x58: {  	s28 =	simm.s32 $0x28C0;
	s2 =	simm.s32 $0x3C0;
	[sflag:s22] =	ssyncadd.s32 $0xFFFFD800  }
.LBB2_2:
0x59: {  	[spmem:s3] =	stream.indirect.scatter.add.f32 [tilespmem:s25], [sflag:$0x2], $0x80, s28, s23, $0xb8;
	[tilespmem:$0x1FF80] =	vst v63  }
0x5a: {  	s28 =	smov.u32 s2  }
0x5b: {  	p5 =	sne.s32 s2, $0x9240;
	s2 =	sadd.s32 $0x3C0, s2;
	_ =	swait.ge [sflag:s22], $0x2800  }
0x5c: {  	s28 =	sshra.s32 s28, $0x2;
	[sflag:s22] =	ssyncset.done $0x0  }
0x5d: {  	s30 =	sadd.s32 $0x140, s28;
	[sflag:s22] =	ssyncadd.s32 $0xFFFFD800  }
0x5e: {  	[tilespmem:s25], [sflag:$0x2] =	stream.indirect.gather [hbm4b:s0+s23], $0x80, s30, s23, $0xb8;
	[tilespmem:$0x1FF80] =	vst v63  }
0x5f: {  	_ =	swait.ge [sflag:s26], $0x2800  }
0x60: {  	[sflag:s26] =	ssyncset.done $0x0  }
0x61: {  	s30 =	sadd.s32 $0x2820, s28;
	[sflag:s26] =	ssyncadd.s32 $0xFFFFD800  }
0x62: {  	[spmem:s3] =	stream.indirect.scatter.add.f32 [tilespmem:s29], [sflag:$0x3], $0x80, s30, s23, $0xb8;
	[tilespmem:$0x1FF80] =	vst v63  }
0x63: {  	_ =	swait.ge [sflag:s26], $0x2800  }
0x64: {  	[sflag:s26] =	ssyncset.done $0x0  }
0x65: {  	s30 =	sadd.s32 $0x190, s28;
	[sflag:s26] =	ssyncadd.s32 $0xFFFFD800  }
0x66: {  	[tilespmem:s29], [sflag:$0x3] =	stream.indirect.gather [hbm4b:s0+s23], $0x80, s30, s23, $0xb8;
	[tilespmem:$0x1FF80] =	vst v63  }
0x67: {  	_ =	swait.ge [sflag:s21], $0x2800  }
0x68: {  	[sflag:s21] =	ssyncset.done $0x0  }
0x69: {  	s30 =	sadd.s32 $0x2870, s28;
	[sflag:s21] =	ssyncadd.s32 $0xFFFFD800  }
0x6a: {  	[spmem:s3] =	stream.indirect.scatter.add.f32 [tilespmem:s24], [sflag:$0x1], $0x80, s30, s23, $0xb8;
	[tilespmem:$0x1FF80] =	vst v63  }
0x6b: {  	_ =	swait.ge [sflag:s21], $0x2800  }
0x6c: {  	[sflag:s21] =	ssyncset.done $0x0  }
.Ltmp0:
0x6d: {  	s30 =	sadd.s32 $0x1E0, s28;
	[sflag:s21] =	ssyncadd.s32 $0xFFFFD800;
	(pc) =	sbr.rel @p5 .LBB2_2-.Ltmp0, $4  }
0x6e: {  	[tilespmem:s24], [sflag:$0x1] =	stream.indirect.gather [hbm4b:s0+s23], $0x80, s30, s23, $0xb8;
	[tilespmem:$0x1FF80] =	vst v63  }
0x6f: {  	_ =	swait.ge [sflag:s22], $0x2800  }
0x70: {  	[sflag:s22] =	ssyncset.done $0x0  }
0x71: {  	s28 =	sadd.s32 $0x28C0, s28;
	[sflag:s22] =	ssyncadd.s32 $0xFFFFD800  }
0x72: {  	[spmem:s3] =	stream.indirect.scatter.add.f32 [tilespmem:s25], [sflag:$0x2], $0x80, s28, s23, $0xb8;
	[tilespmem:$0x1FF80] =	vst v63  }
0x73: {  	_ =	swait.ge [sflag:s22], $0x2800  }
0x74: {  	[sflag:s22] =	ssyncset.done $0x0  }
0x75: {  	s2 =	simm.s32 $0x26C0;
	[sflag:s22] =	ssyncadd.s32 $0xFFFFD800  }
0x76: {  	[tilespmem:s25], [sflag:$0x2] =	stream.indirect.gather [hbm4b:s0+s23], $0x80, s2, s23, $0xb8;
	[tilespmem:$0x1FF80] =	vst v63  }
0x77: {  	_ =	swait.ge [sflag:s26], $0x2800  }
0x78: {  	[sflag:s26] =	ssyncset.done $0x0  }
0x79: {  	s30 =	simm.s32 $0x4DA0;
	[sflag:s26] =	ssyncadd.s32 $0xFFFFD800  }
0x7a: {  	[spmem:s3] =	stream.indirect.scatter.add.f32 [tilespmem:s29], [sflag:$0x3], $0x80, s30, s23, $0xb8;
	[tilespmem:$0x1FF80] =	vst v63  }
0x7b: {  	_ =	swait.ge [sflag:s21], $0x2800  }
0x7c: {  	[sflag:s21] =	ssyncset.done $0x0  }
0x7d: {  	s28 =	simm.s32 $0x4DF0;
	[sflag:s21] =	ssyncadd.s32 $0xFFFFD800  }
0x7e: {  	[spmem:s3] =	stream.indirect.scatter.add.f32 [tilespmem:s24], [sflag:$0x1], $0x80, s28, s23, $0xb8;
	[tilespmem:$0x1FF80] =	vst v63  }
0x7f: {  	_ =	swait.ge [sflag:s26], $0x2800  }
0x80: {  	[sflag:s26] =	ssyncset.done $0x0  }
0x81: {  	[sflag:s26] =	ssyncadd.s32 $0xFFFFD800  }
0x82: {  	_ =	swait.ge [sflag:s22], $0x2800  }
0x83: {  	[sflag:s22] =	ssyncset.done $0x0  }
0x84: {  	s30 =	simm.s32 $0x4E40;
	[sflag:s22] =	ssyncadd.s32 $0xFFFFD800  }
0x85: {  	[spmem:s3] =	stream.indirect.scatter.add.f32 [tilespmem:s25], [sflag:$0x2], $0x80, s30, s23, $0xb8;
	[tilespmem:$0x1FF80] =	vst v63  }
0x86: {  	_ =	swait.ge [sflag:s21], $0x2800  }
0x87: {  	[sflag:s21] =	ssyncset.done $0x0  }
0x88: {  	[sflag:s21] =	ssyncadd.s32 $0xFFFFD800  }
0x89: {  	_ =	swait.ge [sflag:s22], $0x2800  }
0x8a: {  	s28 =	stileid.u32;
	[sflag:s22] =	ssyncset.done $0x0  }
0x8b: {  	s2 =	sshll.u32 s28, $0x6;
	[sflag:s22] =	ssyncadd.s32 $0xFFFFD800  }
0x8c: {  	s2 =	sor.u32 $0x1C04, s2;
	s30 =	sshrl.u32 s7, $0x3;
	[bflag:$0x0] =	sbarrier.arrive $0xFFFF  }
0x8d: {  	[hbm:s13], [sflag:s2] =	dma.local [spmem:s30], $0x2700  }
0x8e: {  	_ =	swait.ge [sflag:s31], $0x2700  }
0x8f: {  	s1 =	sadd.s32 $0x1, s1;
	[sflag:s31] =	ssyncset.done $0x0  }
0x90: {  	p5 =	sne.s32 s1, s15;
	s28 =	sshrl.u32 @!p4 s10, $0x3;
	[sflag:s31] =	ssyncadd.s32 $0xFFFFD900  }
0x91: {  	[hbm:s14], [sflag:s2] =	dma.local @!p4 [spmem:s28], $0x100  }
.Ltmp1:
0x92: {  	_ = 	snop;
	(pc) =	sbr.rel @p5 .LBB2_1-.Ltmp1, $4  }
0x93: {  	s2 =	simm.s32 @!p4 $0x4  }
0x94: {  	_ =	swait.ge @!p4 [sflag:s2], $0x100  }
0x95: {  	[sflag:s2] =	ssyncset.done @!p4 $0x0  }
0x96: {  	[sflag:s2] =	ssyncadd.s32 @!p4 $0xFFFFFF00  }
0x97: {  	_ =	sfence.sel $0x180000  }
0x98: {  	[bflag:$0x0] =	sbarrier.arrive $0xFFFF  }
0x99: {  	_ =	strace $0x90000047  }
0x9a: {  	s0 =	stileid.u32;
	[bflag:$0x2] =	sbarrier.arrive $0xFFFF  }
0x9b: {  	p0 =	sne.s32 s0, $0x0;
	s0 =	rddreg [dreg:$0x4]  }
0x9c: {  	s0 =	sadd.s32 @!p0 $0x100000, s0  }
0x9d: {  	[sflag:s0] =	ssyncadd.tile.s32 @!p0 $0x1;
	_ =	shalt  }
.Lfunc_end2:
_tile_overlayer_lowered:
.L_overlay_start_2:
0x9e: {  	(tag) =	ssettag $0x2  }
0x9f: {  	s0 =	rddreg [dreg:$0x0];
	s2 =	stileid.u32  }
0xa0: {  	s1 =	rddreg [dreg:$0x1];
	p0 =	sne.s32 s2, $0x0  }
0xa1: {  	s3 =	rddreg [dreg:$0x2];
	[bflag:$0x3] =	sbarrier.arrive $0xFFFF;
	s2 =	simm.s32 @!p0 $0x1C04  }
0xa2: {  	[timem:s3], [sflag:s2] =	dma.local @!p0 [hbm:s0], s1  }
0xa3: {  	s0 =	simm.s32 @!p0 $0x4  }
0xa4: {  	_ =	swait.ge @!p0 [sflag:s0], s1  }
0xa5: {  	s1 =	ssub.s32 @!p0 $0x0, s1;
	[sflag:s0] =	ssyncset.done @!p0 $0x0  }
0xa6: {  	[sflag:s0] =	ssyncadd.s32 @!p0 s1  }
0xa7: {  	[bflag:$0x3] =	sbarrier.arrive $0xFFFF  }
0xa8: {  	_ =	shalt  }

// kernel: kernel.9.cloned.1.call-start
scs
__scs_entry_jumppad:
0x0: {  	(pc) =	sbr.rel $0x88, $3  }
0x1: {  	(tag) =	ssettag $0x0;
	lr =	simm.s32 $0x1  }
0x2: {  	[smem:$0x3F8B] =	sst lr;
	_ =	strace $0xD0000000  }
0x3: {  	_ = 	snop  }
0x4: {  	_ = 	snop  }
0x5: {  	_ = 	snop  }
0x6: {  	_ = 	snop  }
0x7: {  	_ = 	snop  }
__scs_overlays_trampoline_lowered:
0x8: {  	[smem:$0x3F9A] =	sst s0  }
0x9: {  	[smem:$0x3F9B] =	sst s1  }
0xa: {  	[smem:$0x3F9C] =	sst s2  }
0xb: {  	[smem:$0x3F9D] =	sst s3  }
0xc: {  	[smem:$0x3F9E] =	sst s4  }
0xd: {  	[smem:$0x3F9F] =	sst s5  }
0xe: {  	[smem:$0x3FA0] =	sst s6  }
0xf: {  	[smem:$0x3FA1] =	sst s7  }
0x10: {  	[smem:$0x3FA2] =	sst s8  }
0x11: {  	[smem:$0x3FA3] =	sst s9;
	s0 =	simm.s32 @!p0 $0x0  }
0x12: {  	s1 =	sld [smem:$0x3F89];
	s0 =	simm.s32 @p0 $0x1  }
0x13: {  	[smem:$0x3FA4] =	sst s0;
	s0 =	simm.s32 @!p1 $0x0  }
0x14: {  	s2 =	sld [smem:$0x3F88];
	s0 =	simm.s32 @p1 $0x1  }
0x15: {  	[smem:$0x3FA5] =	sst s0;
	s0 =	simm.s32 @!p2 $0x0  }
0x16: {  	s3 =	sld [smem:$0x3FDB];
	s0 =	simm.s32 @p2 $0x1  }
0x17: {  	s4 =	simm.s32 $0x1BF5;
	[smem:$0x3FA7] =	sst s0  }
0x18: {  	s0 =	sld [smem:$0x3F8A];
	_ =	swait.ge [sflag:s4], $0x0  }
0x19: {  	s7 =	sld [smem:$0x3F8B]  }
0x1a: {  	s8 =	sadd.s32 $0xFFFFE003, lr  }
0x1b: {  	s9 =	sadd.s32 $0xFFFFFEF7, lr;
	s5 =	simm.s32 $0xFFFFFFFF;
	p2 =	slt.u32 s8, $0xFFFFF086  }
0x1c: {  	p1 =	slt.u32 s9, $0xF7A;
	s5 =	simm.s32 @!p2 $0x0  }
0x1d: {  	s5 =	simm.s32 @p1 $0x1;
	p0 =	seq.s32 s7, s2  }
0x1e: {  	s7 =	smul.u32 @!p0 $0xF7A, s2;
	p2 =	seq.s32 @!p0 s5, $0x0  }
0x1f: {  	s9 =	smul.u32 $0xF7A, s1;
	s8 =	simm.s32 @!p0 $0x1BF5;
	p2 =	por !p2, p0  }
0x20: {  	[sflag:s8] =	ssyncset.s32 @!p0 $0xFFFFF086;
	s6 =	sadd.s32 @!p0 s3, s7;
	s7 =	simm.s32 @!p0 $0x108  }
0x21: {  	s3 =	sadd.s32 s3, s9;
	s6 =	sadd.s32 @!p0 $0x88, s6;
	s7 =	simm.s32 @p2 $0x1082  }
0x22: {  	[simem:s7], [sflag:s8] =	dma.local @!p0 [hbm:s6], $0xF7A  }
0x23: {  	s9 =	sor.u32 $0xD0000000, s2;
	s6 =	simm.s32 $0x108;
	_ =	swait.ge @!p0 [sflag:s8], $0x0  }
0x24: {  	s3 =	sadd.s32 $0x88, s3;
	s6 =	simm.s32 @!p1 $0x1082;
	[sflag:s4] =	ssyncset.s32 $0xFFFFF086  }
0x25: {  	[simem:s6], [sflag:s4] =	dma.local [hbm:s3], $0xF7A  }
0x26: {  	[smem:$0x3F8B] =	sst s1;
	(tag) =	ssettag s2;
	_ =	strace s9  }
0x27: {  	s1 =	sld [smem:$0x3F9B]  }
0x28: {  	s2 =	sld [smem:$0x3F9C]  }
0x29: {  	s4 =	sld [smem:$0x3F9E]  }
0x2a: {  	p0 =	seq.s32 s5, $0x0;
	s5 =	sld [smem:$0x3F9F]  }
0x2b: {  	s6 =	sld [smem:$0x3FA0]  }
0x2c: {  	s7 =	sld [smem:$0x3FA1]  }
0x2d: {  	s3 =	simm.s32 $0x108;
	s8 =	sld [smem:$0x3FA2]  }
0x2e: {  	s3 =	simm.s32 @!p0 $0x1082;
	s9 =	sld [smem:$0x3FA3]  }
0x2f: {  	lr =	sadd.s32 s0, s3;
	s0 =	sld [smem:$0x3F9A]  }
0x30: {  	s3 =	sld [smem:$0x3F9D]  }
0x31: {  	[smem:$0x3FA6] =	sst s10  }
0x32: {  	s10 =	sld [smem:$0x3FA4];
	_ =	sdelay $0x3  }
0x33: {  	p0 =	seq.s32 s10, $0x1;
	s10 =	sld [smem:$0x3FA6];
	_ =	sdelay $0x3  }
0x34: {  	[smem:$0x3FA6] =	sst s10  }
0x35: {  	s10 =	sld [smem:$0x3FA5];
	_ =	sdelay $0x3  }
0x36: {  	p1 =	seq.s32 s10, $0x1;
	s10 =	sld [smem:$0x3FA6];
	_ =	sdelay $0x3  }
0x37: {  	[smem:$0x3FA6] =	sst s10  }
0x38: {  	s10 =	sld [smem:$0x3FA7]  }
0x39: {  	_ = 	snop;
	(pc) =	sbr.ind lr, $3  }
0x3a: {  	_ = 	snop  }
0x3b: {  	_ = 	snop  }
0x3c: {  	p2 =	seq.s32 s10, $0x1;
	s10 =	sld [smem:$0x3FA6]  }
0x3d: {  	_ =	shalt  }
0x3e: {  	_ =	shalt  }
0x3f: {  	_ =	shalt  }
0x40: {  	_ =	shalt  }
0x41: {  	_ =	shalt  }
0x42: {  	_ =	shalt  }
0x43: {  	_ =	shalt  }
0x44: {  	_ =	shalt  }
0x45: {  	_ =	shalt  }
0x46: {  	_ =	shalt  }
0x47: {  	_ =	shalt  }
0x48: {  	_ =	shalt  }
0x49: {  	_ =	shalt  }
0x4a: {  	_ =	shalt  }
0x4b: {  	_ =	shalt  }
0x4c: {  	_ =	shalt  }
0x4d: {  	_ =	shalt  }
0x4e: {  	_ =	shalt  }
0x4f: {  	_ =	shalt  }
0x50: {  	_ =	shalt  }
0x51: {  	_ =	shalt  }
0x52: {  	_ =	shalt  }
0x53: {  	_ =	shalt  }
0x54: {  	_ =	shalt  }
0x55: {  	_ =	shalt  }
0x56: {  	_ =	shalt  }
0x57: {  	_ =	shalt  }
0x58: {  	_ =	shalt  }
0x59: {  	_ =	shalt  }
0x5a: {  	_ =	shalt  }
0x5b: {  	_ =	shalt  }
0x5c: {  	_ =	shalt  }
0x5d: {  	_ =	shalt  }
0x5e: {  	_ =	shalt  }
0x5f: {  	_ =	shalt  }
0x60: {  	_ =	shalt  }
0x61: {  	_ =	shalt  }
0x62: {  	_ =	shalt  }
0x63: {  	_ =	shalt  }
0x64: {  	_ =	shalt  }
0x65: {  	_ =	shalt  }
0x66: {  	_ =	shalt  }
0x67: {  	_ =	shalt  }
0x68: {  	_ =	shalt  }
0x69: {  	_ =	shalt  }
0x6a: {  	_ =	shalt  }
0x6b: {  	_ =	shalt  }
0x6c: {  	_ =	shalt  }
0x6d: {  	_ =	shalt  }
0x6e: {  	_ =	shalt  }
0x6f: {  	_ =	shalt  }
0x70: {  	_ =	shalt  }
0x71: {  	_ =	shalt  }
0x72: {  	_ =	shalt  }
0x73: {  	_ =	shalt  }
0x74: {  	_ =	shalt  }
0x75: {  	_ =	shalt  }
0x76: {  	_ =	shalt  }
0x77: {  	_ =	shalt  }
0x78: {  	_ =	shalt  }
0x79: {  	_ =	shalt  }
0x7a: {  	_ =	shalt  }
0x7b: {  	_ =	shalt  }
0x7c: {  	_ =	shalt  }
0x7d: {  	_ =	shalt  }
0x7e: {  	_ =	shalt  }
0x7f: {  	_ =	shalt  }
0x80: {  	_ =	shalt  }
0x81: {  	_ =	shalt  }
0x82: {  	_ =	shalt  }
0x83: {  	_ =	shalt  }
0x84: {  	_ =	shalt  }
0x85: {  	_ =	shalt  }
0x86: {  	_ =	shalt  }
0x87: {  	_ =	shalt  }
.Lfunc_end0:
.L_simem_size_0:
called_computation.1_lowered:
.L_overlay_start_0:
0x88: {  	s2 =	sld [smem:$0x3FD9]  }
0x89: {  	s3 =	sld [smem:$0x3FFE];
	_ =	sdelay $0x1  }
0x8a: {  	s1 =	srdreg.scid  }
0x8b: {  	s0 =	sand.u32 $0x1, s1  }
0x8c: {  	s17 =	sshll.u32 s0, $0xA;
	s2 =	sadd.s32 s3, s2  }
0x8d: {  	s2 =	sadd.s32 s2, s17  }
0x8e: {  	[smem:$0x3FB2] =	sst s2  }
0x8f: {  	_ = 	snop  }
0x90: {  	s2 =	sld [smem:$0x3FD0];
	(tm) =	ssettm $0x1  }
0x91: {  	s18 =	sld [smem:$0x3FFB];
	_ =	sdelay $0x3  }
0x92: {  	_ =	strace s18  }
0x93: {  	s3 =	sld [smem:$0x3FFC];
	_ =	sdelay $0x3  }
0x94: {  	_ =	strace s3  }
0x95: {  	s3 =	sld [smem:$0x3FFD];
	_ =	sdelay $0x3  }
0x96: {  	_ =	strace s3  }
0x97: {  	_ =	strace $0x8FFFFFFF  }
0x98: {  	s19 =	sld [smem:$0x3FDB];
	_ =	sdelay $0x1  }
0x99: {  	s4 =	simm.s32 $_scs_section_size  }
0x9a: {  	s5 =	simm.s32 $_size__tile_overlayer_lowered;
	s6 =	simm.s32 $_tile_overlayer_lowered  }
0x9b: {  	s22 =	simm.s32 $0x1BFF;
	s21 =	sshll.u32 s6, $0x1;
	s3 =	sadd.s32 s4, s19  }
0x9c: {  	s7 =	simm.s32 $0x0;
	s20 =	sshll.u32 s5, $0x1;
	s5 =	sadd.s32 s21, s3  }
0x9d: {  	[timem:s7], [sflag:s22] =	dma.local [hbm:s5], s20  }
0x9e: {  	_ =	swait.ge [sflag:s22], s20  }
0x9f: {  	s4 =	ssub.s32 $0x0, s20;
	[sflag:s22] =	ssyncset.done $0x0  }
0xa0: {  	[sflag:s22] =	ssyncadd.s32 s4;
	_ =	sdelay $0x1  }
0xa1: {  	s23 =	simm.s32 $0x1B8B  }
0xa2: {  	_ =	swait.ge [sflag:s23], $0x1  }
0xa3: {  	[sflag:s23] =	ssyncset.done $0x0  }
0xa4: {  	s25 =	simm.s32 $0x1B8E;
	s24 =	sld [smem:$0x3FFE];
	[sflag:s23] =	ssyncadd.s32 $0xFFFFFFFF  }
0xa5: {  	s26 =	simm.s32 $execute0_lowered;
	[smem:$0x3FD2] =	sst s25  }
0xa6: {  	s5 =	sshll.u32 s26, $0x1;
	_ =	strace $0x80000049;
	[dreg:$0x1] =	wrdreg $0xFFFFFFFF  }
0xa7: {  	s28 =	simm.s32 $_size_execute0_lowered;
	s3 =	sadd.s32 s3, s5;
	[dreg:$0x0] =	wrdreg $0x0  }
0xa8: {  	s5 =	sshll.u32 s28, $0x1;
	[dreg:$0x2] =	wrdreg s3  }
0xa9: {  	[dreg:$0x3] =	wrdreg s5  }
0xaa: {  	[dreg:$0x4] =	wrdreg $0xC0  }
0xab: {  	_ =	task [dreg:s7], $0x5FFFF  }
0xac: {  	[dreg:$0x1] =	wrdreg $0xFFFFFFFF  }
0xad: {  	[dreg:$0x0] =	wrdreg $0x60  }
0xae: {  	[dreg:$0x2] =	wrdreg s24  }
0xaf: {  	[dreg:$0x3] =	wrdreg s2  }
0xb0: {  	[dreg:$0x4] =	wrdreg $0xC7000  }
0xb1: {  	[dreg:$0x5] =	wrdreg $0x9  }
0xb2: {  	_ =	task.clear_ibuf [dreg:s7], $0x6FFFF;
	_ =	strace $0x90000049  }
0xb3: {  	s29 =	simm.s32 $0x9;
	_ =	strace $0x8000004B  }
0xb4: {  	_ =	swait.ge [sflag:s29], $0x1  }
0xb5: {  	[sflag:s29] =	ssyncadd.s32 $0xFFFFFFFF  }
0xb6: {  	_ =	strace $0x9000004B  }
0xb7: {  	_ =	sfence  }
0xb8: {  	s30 =	sld [smem:$0x0];
	_ =	sdelay $0x2  }
0xb9: {  	s31 =	sshll.u32 s1, $0xD;
	s1 =	sshrl.u32 s1, $0x2  }
0xba: {  	s3 =	sand.u32 $0x4000, s31;
	s1 =	sadd.s32 s1, s30  }
0xbb: {  	s0 =	sor.u32 s3, s0;
	s1 =	sshll.u32 s1, $0x11  }
0xbc: {  	s0 =	sor.u32 s1, s0  }
0xbd: {  	s0 =	sadd.s32 $0x8F2B, s0  }
0xbe: {  	[sflag:s0] =	ssyncadd.remote.s32 $0x1  }
0xbf: {  	_ =	sfence.sel $0xFFFF  }
0xc0: {  	[dreg:$0x0] =	wrdreg $0xFFFFFFFF;
	(pc) =	sbr.abs _section_cstart, $3  }
0xc1: {  	[dreg:$0x1] =	wrdreg $0xFFFFFFFF  }
0xc2: {  	_ =	task.clear_ibuf [dreg:s7], $0x2FFFF;
	_ =	strace $0x9FFFFFFF  }
0xc3: {  	(tm) =	ssettm $0x7FFFFFFF  }
tec
execute0_lowered:
.L_overlay_start_1:
0x0: {  	(tag) =	ssettag $0x1  }
0x1: {  	s0 =	rddreg [dreg:$0x0]  }
0x2: {  	s2 =	rddreg [dreg:$0x1]  }
0x3: {  	s1 =	rddreg [dreg:$0x2]  }
0x4: {  	s3 =	srdreg.scid;
	s26 =	stileid.u32;
	s21 =	simm.s32 $0x1  }
0x5: {  	s22 =	simm.s32 $0x2;
	s23 =	simm.s32 $0x50;
	s24 =	simm.s32 $0x4F00  }
0x6: {  	s29 =	simm.s32 $0x9F00;
	s31 =	simm.s32 $0x4;
	s8 =	smul.u32 $0x4E000, s26  }
0x7: {  	s16 =	sand.u32 $0x1, s3;
	s3 =	simm.s32 $0x0;
	s10 =	smul.u32 $0x2700, s26  }
0x8: {  	s14 =	sadd.s32 $0x3D400, s0;
	p2 =	seq.s32 s26, $0xF;
	s13 =	smul.u32 $0x13800, s26  }
0x9: {  	s11 =	sadd.s32 $0x3D200, s0;
	p4 =	sne.s32 s26, $0xF;
	s4 =	sshll.u32 s16, $0x4  }
0xa: {  	[smem:$0x7FF] =	sst s3;
	s6 =	ssub.s32 $0x2, s16;
	p1 =	seq.s32 s16, $0x0  }
0xb: {  	s12 =	smul.u32 $0x138800, s16;
	p0 =	seq.s32 s16, $0x1;
	p3 =	sne.s32 s16, $0x0  }
0xc: {  	s16 =	simm.s32 $0x2780;
	s4 =	sor.u32 s26, s4;
	_ =	strace $0x8000004A  }
0xd: {  	s7 =	sshrl.u32 s6, $0x1;
	s25 =	sshrl.u32 s8, $0x2;
	p1 =	por !p2, !p1  }
0xe: {  	p2 =	por !p2, !p0;
	s5 =	smul.u32 $0x4E2, s4;
	s4 =	sadd.s32 $0x16200, s0  }
0xf: {  	s15 =	ssub.s32 s6, s7;
	s7 =	sadd.s32 s25, s1;
	p1 =	por !p1, !p1  }
0x10: {  	s28 =	sadd.s32 s13, s12;
	p2 =	por !p2, !p2;
	s17 =	sshrl.u32 s12, $0x3  }
0x11: {  	s12 =	sadd.s32 $0x27000, s2;
	s25 =	simm.s32 $0x7700;
	s8 =	sadd.s32 s4, s10  }
0x12: {  	s30 =	sadd.s32 s14, s17;
	s15 =	smax.u32 s15, $0x1;
	s18 =	sshrl.u32 @!p3 s7, $0x3  }
0x13: {  	s20 =	sshrl.u32 @p0 s7, $0x3;
	s9 =	sadd.s32 s5, s0;
	s0 =	sshrl.u32 s28, $0x3  }
0x14: {  	s5 =	sadd.s32 $0xC400, s9;
	s6 =	sadd.s32 $0x2600, s9;
	s9 =	sadd.s32 s2, s10  }
0x15: {  	s10 =	sadd.s32 $0x138000, s1;
	s13 =	sadd.s32 s14, s0;
	s14 =	sadd.s32 $0x27000, s30  }
0x16: {  	s0 =	sshll.u32 @!p3 s26, $0x6;
	s2 =	sshll.u32 @p0 s26, $0x6;
	s26 =	simm.s32 $0x3  }
0x17: {  	s17 =	sor.u32 @!p3 $0x1C03, s0;
	s19 =	sor.u32 @p0 $0x1C03, s2;
	s0 =	simm.s32 $0x0  }
.LBB2_1:
0x18: {  	[tilespmem:s3], [sflag:$0x1] =	stream.linear.gather [hbm4b:s5+s3], $0x2710, $0x38;
	[tilespmem:$0x1FF80] =	vst v63  }
0x19: {  	_ = 	snop  }
0x1a: {  	[tilespmem:s16], [sflag:$0x2] =	stream.linear.gather [hbm4b:s6+s3], $0x2710, $0x38;
	[tilespmem:$0x1FF80] =	vst v63  }
0x1b: {  	[spmem:s18], [sflag:s17] =	dma.local @!p3 [hbm:s8], $0x2700  }
0x1c: {  	[spmem:s20], [sflag:s19] =	dma.local @p0 [hbm:s9], $0x2700  }
0x1d: {  	_ =	swait.ge [sflag:s21], $0x2710  }
0x1e: {  	[sflag:s21] =	ssyncset.done $0x0  }
0x1f: {  	[sflag:s21] =	ssyncadd.s32 $0xFFFFD8F0  }
0x20: {  	_ =	swait.ge [sflag:s22], $0x2710  }
0x21: {  	[sflag:s22] =	ssyncset.done $0x0  }
0x22: {  	[sflag:s22] =	ssyncadd.s32 $0xFFFFD8F0  }
0x23: {  	[tilespmem:s24], [sflag:$0x1] =	stream.indirect.gather [hbm4b:s4+s23], $0x80, s3, s23, $0xb8;
	[tilespmem:$0x1FF80] =	vst v63  }
0x24: {  	_ = 	snop  }
0x25: {  	[tilespmem:s25], [sflag:$0x2] =	stream.indirect.gather [hbm4b:s4+s23], $0x80, s23, s23, $0xb8;
	[tilespmem:$0x1FF80] =	vst v63  }
0x26: {  	_ =	swait.ge [sflag:s26], $0x2700  }
0x27: {  	[sflag:s26] =	ssyncset.done $0x0  }
0x28: {  	s2 =	sshrl.u32 @p1 s10, $0x3;
	s28 =	simm.s32 @p1 $0x1FC4;
	[sflag:s26] =	ssyncadd.s32 $0xFFFFD900  }
0x29: {  	[spmem:s2], [sflag:s28] =	dma.local @p1 [hbm:s11], $0x100  }
0x2a: {  	s2 =	simm.s32 @p1 $0x4  }
0x2b: {  	_ =	swait.ge @p1 [sflag:s2], $0x100  }
0x2c: {  	[sflag:s2] =	ssyncset.done @p1 $0x0  }
0x2d: {  	s28 =	simm.s32 @p2 $0x1FC4;
	[sflag:s2] =	ssyncadd.s32 @p1 $0xFFFFFF00;
	s2 =	sshrl.u32 @p2 s10, $0x3  }
0x2e: {  	[spmem:s2], [sflag:s28] =	dma.local @p2 [hbm:s12], $0x100  }
0x2f: {  	s2 =	simm.s32 @p2 $0x4  }
0x30: {  	_ =	swait.ge @p2 [sflag:s2], $0x100  }
0x31: {  	[sflag:s2] =	ssyncset.done @p2 $0x0  }
0x32: {  	[sflag:s2] =	ssyncadd.s32 @p2 $0xFFFFFF00  }
0x33: {  	[bflag:$0x0] =	sbarrier.arrive $0xFFFF  }
0x34: {  	_ =	swait.ge [sflag:s21], $0x2800  }
0x35: {  	[sflag:s21] =	ssyncset.done $0x0  }
0x36: {  	[sflag:s21] =	ssyncadd.s32 $0xFFFFD800  }
0x37: {  	[spmem:s1] =	stream.indirect.scatter.add.f32 [tilespmem:s24], [sflag:$0x1], $0x80, s16, s23, $0xb8;
	[tilespmem:$0x1FF80] =	vst v63  }
0x38: {  	s30 =	simm.s32 $0xA0  }
0x39: {  	[tilespmem:s29], [sflag:$0x3] =	stream.indirect.gather [hbm4b:s4+s23], $0x80, s30, s23, $0xb8;
	[tilespmem:$0x1FF80] =	vst v63  }
0x3a: {  	_ =	swait.ge [sflag:s21], $0x2800  }
0x3b: {  	[sflag:s21] =	ssyncset.done $0x0  }
0x3c: {  	s30 =	simm.s32 $0xF0;
	[sflag:s21] =	ssyncadd.s32 $0xFFFFD800  }
0x3d: {  	[tilespmem:s24], [sflag:$0x1] =	stream.indirect.gather [hbm4b:s4+s23], $0x80, s30, s23, $0xb8;
	[tilespmem:$0x1FF80] =	vst v63  }
0x3e: {  	_ =	swait.ge [sflag:s22], $0x2800  }
0x3f: {  	[sflag:s22] =	ssyncset.done $0x0  }
0x40: {  	s30 =	simm.s32 $0x27D0;
	[sflag:s22] =	ssyncadd.s32 $0xFFFFD800  }
0x41: {  	[spmem:s1] =	stream.indirect.scatter.add.f32 [tilespmem:s25], [sflag:$0x2], $0x80, s30, s23, $0xb8;
	[tilespmem:$0x1FF80] =	vst v63  }
0x42: {  	_ =	swait.ge [sflag:s22], $0x2800  }
0x43: {  	[sflag:s22] =	ssyncset.done $0x0  }
0x44: {  	s30 =	simm.s32 $0x140;
	[sflag:s22] =	ssyncadd.s32 $0xFFFFD800  }
0x45: {  	[tilespmem:s25], [sflag:$0x2] =	stream.indirect.gather [hbm4b:s4+s23], $0x80, s30, s23, $0xb8;
	[tilespmem:$0x1FF80] =	vst v63  }
0x46: {  	_ =	swait.ge [sflag:s26], $0x2800  }
0x47: {  	[sflag:s26] =	ssyncset.done $0x0  }
0x48: {  	s30 =	simm.s32 $0x2820;
	[sflag:s26] =	ssyncadd.s32 $0xFFFFD800  }
0x49: {  	[spmem:s1] =	stream.indirect.scatter.add.f32 [tilespmem:s29], [sflag:$0x3], $0x80, s30, s23, $0xb8;
	[tilespmem:$0x1FF80] =	vst v63  }
0x4a: {  	_ =	swait.ge [sflag:s26], $0x2800  }
0x4b: {  	[sflag:s26] =	ssyncset.done $0x0  }
0x4c: {  	s30 =	simm.s32 $0x190;
	[sflag:s26] =	ssyncadd.s32 $0xFFFFD800  }
0x4d: {  	[tilespmem:s29], [sflag:$0x3] =	stream.indirect.gather [hbm4b:s4+s23], $0x80, s30, s23, $0xb8;
	[tilespmem:$0x1FF80] =	vst v63  }
0x4e: {  	_ =	swait.ge [sflag:s21], $0x2800  }
0x4f: {  	[sflag:s21] =	ssyncset.done $0x0  }
0x50: {  	s30 =	simm.s32 $0x2870;
	[sflag:s21] =	ssyncadd.s32 $0xFFFFD800  }
0x51: {  	[spmem:s1] =	stream.indirect.scatter.add.f32 [tilespmem:s24], [sflag:$0x1], $0x80, s30, s23, $0xb8;
	[tilespmem:$0x1FF80] =	vst v63  }
0x52: {  	_ =	swait.ge [sflag:s21], $0x2800  }
0x53: {  	[sflag:s21] =	ssyncset.done $0x0  }
0x54: {  	s30 =	simm.s32 $0x1E0;
	[sflag:s21] =	ssyncadd.s32 $0xFFFFD800  }
0x55: {  	[tilespmem:s24], [sflag:$0x1] =	stream.indirect.gather [hbm4b:s4+s23], $0x80, s30, s23, $0xb8;
	[tilespmem:$0x1FF80] =	vst v63  }
0x56: {  	_ =	swait.ge [sflag:s22], $0x2800  }
0x57: {  	[sflag:s22] =	ssyncset.done $0x0  }
0x58: {  	s28 =	simm.s32 $0x3C0;
	s2 =	simm.s32 $0x28C0;
	[sflag:s22] =	ssyncadd.s32 $0xFFFFD800  }
.LBB2_2:
0x59: {  	[spmem:s1] =	stream.indirect.scatter.add.f32 [tilespmem:s25], [sflag:$0x2], $0x80, s2, s23, $0xb8;
	[tilespmem:$0x1FF80] =	vst v63  }
0x5a: {  	s2 =	smov.u32 s28  }
0x5b: {  	p5 =	sne.s32 s28, $0x9240;
	s28 =	sadd.s32 $0x3C0, s28;
	_ =	swait.ge [sflag:s22], $0x2800  }
0x5c: {  	s2 =	sshra.s32 s2, $0x2;
	[sflag:s22] =	ssyncset.done $0x0  }
0x5d: {  	s30 =	sadd.s32 $0x140, s2;
	[sflag:s22] =	ssyncadd.s32 $0xFFFFD800  }
0x5e: {  	[tilespmem:s25], [sflag:$0x2] =	stream.indirect.gather [hbm4b:s4+s23], $0x80, s30, s23, $0xb8;
	[tilespmem:$0x1FF80] =	vst v63  }
0x5f: {  	_ =	swait.ge [sflag:s26], $0x2800  }
0x60: {  	[sflag:s26] =	ssyncset.done $0x0  }
0x61: {  	s30 =	sadd.s32 $0x2820, s2;
	[sflag:s26] =	ssyncadd.s32 $0xFFFFD800  }
0x62: {  	[spmem:s1] =	stream.indirect.scatter.add.f32 [tilespmem:s29], [sflag:$0x3], $0x80, s30, s23, $0xb8;
	[tilespmem:$0x1FF80] =	vst v63  }
0x63: {  	_ =	swait.ge [sflag:s26], $0x2800  }
0x64: {  	[sflag:s26] =	ssyncset.done $0x0  }
0x65: {  	s30 =	sadd.s32 $0x190, s2;
	[sflag:s26] =	ssyncadd.s32 $0xFFFFD800  }
0x66: {  	[tilespmem:s29], [sflag:$0x3] =	stream.indirect.gather [hbm4b:s4+s23], $0x80, s30, s23, $0xb8;
	[tilespmem:$0x1FF80] =	vst v63  }
0x67: {  	_ =	swait.ge [sflag:s21], $0x2800  }
0x68: {  	[sflag:s21] =	ssyncset.done $0x0  }
0x69: {  	s30 =	sadd.s32 $0x2870, s2;
	[sflag:s21] =	ssyncadd.s32 $0xFFFFD800  }
0x6a: {  	[spmem:s1] =	stream.indirect.scatter.add.f32 [tilespmem:s24], [sflag:$0x1], $0x80, s30, s23, $0xb8;
	[tilespmem:$0x1FF80] =	vst v63  }
0x6b: {  	_ =	swait.ge [sflag:s21], $0x2800  }
0x6c: {  	[sflag:s21] =	ssyncset.done $0x0  }
.Ltmp0:
0x6d: {  	s30 =	sadd.s32 $0x1E0, s2;
	[sflag:s21] =	ssyncadd.s32 $0xFFFFD800;
	(pc) =	sbr.rel @p5 .LBB2_2-.Ltmp0, $4  }
0x6e: {  	[tilespmem:s24], [sflag:$0x1] =	stream.indirect.gather [hbm4b:s4+s23], $0x80, s30, s23, $0xb8;
	[tilespmem:$0x1FF80] =	vst v63  }
0x6f: {  	_ =	swait.ge [sflag:s22], $0x2800  }
0x70: {  	[sflag:s22] =	ssyncset.done $0x0  }
0x71: {  	s2 =	sadd.s32 $0x28C0, s2;
	[sflag:s22] =	ssyncadd.s32 $0xFFFFD800  }
0x72: {  	[spmem:s1] =	stream.indirect.scatter.add.f32 [tilespmem:s25], [sflag:$0x2], $0x80, s2, s23, $0xb8;
	[tilespmem:$0x1FF80] =	vst v63  }
0x73: {  	_ =	swait.ge [sflag:s22], $0x2800  }
0x74: {  	[sflag:s22] =	ssyncset.done $0x0  }
0x75: {  	s30 =	simm.s32 $0x26C0;
	[sflag:s22] =	ssyncadd.s32 $0xFFFFD800  }
0x76: {  	[tilespmem:s25], [sflag:$0x2] =	stream.indirect.gather [hbm4b:s4+s23], $0x80, s30, s23, $0xb8;
	[tilespmem:$0x1FF80] =	vst v63  }
0x77: {  	_ =	swait.ge [sflag:s26], $0x2800  }
0x78: {  	[sflag:s26] =	ssyncset.done $0x0  }
0x79: {  	s28 =	simm.s32 $0x4DA0;
	[sflag:s26] =	ssyncadd.s32 $0xFFFFD800  }
0x7a: {  	[spmem:s1] =	stream.indirect.scatter.add.f32 [tilespmem:s29], [sflag:$0x3], $0x80, s28, s23, $0xb8;
	[tilespmem:$0x1FF80] =	vst v63  }
0x7b: {  	_ =	swait.ge [sflag:s21], $0x2800  }
0x7c: {  	[sflag:s21] =	ssyncset.done $0x0  }
0x7d: {  	s30 =	simm.s32 $0x4DF0;
	[sflag:s21] =	ssyncadd.s32 $0xFFFFD800  }
0x7e: {  	[spmem:s1] =	stream.indirect.scatter.add.f32 [tilespmem:s24], [sflag:$0x1], $0x80, s30, s23, $0xb8;
	[tilespmem:$0x1FF80] =	vst v63  }
0x7f: {  	_ =	swait.ge [sflag:s26], $0x2800  }
0x80: {  	[sflag:s26] =	ssyncset.done $0x0  }
0x81: {  	[sflag:s26] =	ssyncadd.s32 $0xFFFFD800  }
0x82: {  	_ =	swait.ge [sflag:s22], $0x2800  }
0x83: {  	[sflag:s22] =	ssyncset.done $0x0  }
0x84: {  	s28 =	simm.s32 $0x4E40;
	[sflag:s22] =	ssyncadd.s32 $0xFFFFD800  }
0x85: {  	[spmem:s1] =	stream.indirect.scatter.add.f32 [tilespmem:s25], [sflag:$0x2], $0x80, s28, s23, $0xb8;
	[tilespmem:$0x1FF80] =	vst v63  }
0x86: {  	_ =	swait.ge [sflag:s21], $0x2800  }
0x87: {  	[sflag:s21] =	ssyncset.done $0x0  }
0x88: {  	[sflag:s21] =	ssyncadd.s32 $0xFFFFD800  }
0x89: {  	_ =	swait.ge [sflag:s22], $0x2800  }
0x8a: {  	s30 =	stileid.u32;
	[sflag:s22] =	ssyncset.done $0x0  }
0x8b: {  	s2 =	sshll.u32 s30, $0x6;
	[sflag:s22] =	ssyncadd.s32 $0xFFFFD800  }
0x8c: {  	s2 =	sor.u32 $0x1C04, s2;
	s28 =	sshrl.u32 s7, $0x3;
	[bflag:$0x0] =	sbarrier.arrive $0xFFFF  }
0x8d: {  	[hbm:s13], [sflag:s2] =	dma.local [spmem:s28], $0x2700  }
0x8e: {  	_ =	swait.ge [sflag:s31], $0x2700  }
0x8f: {  	s0 =	sadd.s32 $0x1, s0;
	[sflag:s31] =	ssyncset.done $0x0  }
0x90: {  	p5 =	sne.s32 s0, s15;
	s28 =	sshrl.u32 @!p4 s10, $0x3;
	[sflag:s31] =	ssyncadd.s32 $0xFFFFD900  }
0x91: {  	[hbm:s14], [sflag:s2] =	dma.local @!p4 [spmem:s28], $0x100  }
.Ltmp1:
0x92: {  	_ = 	snop;
	(pc) =	sbr.rel @p5 .LBB2_1-.Ltmp1, $4  }
0x93: {  	s2 =	simm.s32 @!p4 $0x4  }
0x94: {  	_ =	swait.ge @!p4 [sflag:s2], $0x100  }
0x95: {  	[sflag:s2] =	ssyncset.done @!p4 $0x0  }
0x96: {  	[sflag:s2] =	ssyncadd.s32 @!p4 $0xFFFFFF00  }
0x97: {  	_ =	sfence.sel $0x180000  }
0x98: {  	[bflag:$0x0] =	sbarrier.arrive $0xFFFF  }
0x99: {  	_ =	strace $0x9000004A  }
0x9a: {  	s0 =	stileid.u32;
	[bflag:$0x2] =	sbarrier.arrive $0xFFFF  }
0x9b: {  	p0 =	sne.s32 s0, $0x0;
	s0 =	rddreg [dreg:$0x3]  }
0x9c: {  	s0 =	sadd.s32 @!p0 $0x100000, s0  }
0x9d: {  	[sflag:s0] =	ssyncadd.tile.s32 @!p0 $0x1;
	_ =	shalt  }
.Lfunc_end2:
_tile_overlayer_lowered:
.L_overlay_start_2:
0x9e: {  	(tag) =	ssettag $0x2  }
0x9f: {  	s0 =	rddreg [dreg:$0x0];
	s2 =	stileid.u32  }
0xa0: {  	s1 =	rddreg [dreg:$0x1];
	p0 =	sne.s32 s2, $0x0  }
0xa1: {  	s3 =	rddreg [dreg:$0x2];
	[bflag:$0x3] =	sbarrier.arrive $0xFFFF;
	s2 =	simm.s32 @!p0 $0x1C04  }
0xa2: {  	[timem:s3], [sflag:s2] =	dma.local @!p0 [hbm:s0], s1  }
0xa3: {  	s0 =	simm.s32 @!p0 $0x4  }
0xa4: {  	_ =	swait.ge @!p0 [sflag:s0], s1  }
0xa5: {  	s1 =	ssub.s32 @!p0 $0x0, s1;
	[sflag:s0] =	ssyncset.done @!p0 $0x0  }
0xa6: {  	[sflag:s0] =	ssyncadd.s32 @!p0 s1  }
0xa7: {  	[bflag:$0x3] =	sbarrier.arrive $0xFFFF  }
0xa8: {  	_ =	shalt  }

</sc_bundles>
